<compile_context>
chip_gen: v7x
topology: tpu7x:2x2x1
jax: 0.10.2.dev20260603
libtpu: 0.0.44.dev20260713+nightly
codegen_flags: <defaults>
</compile_context>

<pallas_src>
import jax
import jax.numpy as jnp
from jax import lax
from jax.experimental import pallas as pl
from jax.experimental.pallas import tpu as pltpu
from jax.experimental.pallas import tpu_sc as plsc

_LAMBDA_POS = 0.5
_LAMBDA_RAD = 0.5
_LAMBDA_UNPAIR = 0.5
_N = 20
_M = 12
_L = 16

_LN2 = 0.6931471805599453


def _vsqrt(x):
    bits = lax.bitcast_convert_type(x, jnp.int32)
    y = lax.bitcast_convert_type(jnp.int32(0x5F3759DF) - (bits >> 1), jnp.float32)
    for _ in range(3):
        y = y * (1.5 - 0.5 * x * y * y)
    r = x * y
    return 0.5 * (r + x / (r + 1e-30))


def _vlog(x):
    bits = lax.bitcast_convert_type(x, jnp.int32)
    e = ((bits >> 23) & 0xFF) - 127
    m = lax.bitcast_convert_type((bits & 0x007FFFFF) | 0x3F800000, jnp.float32)
    big = m > 1.4142135623730951
    m = jnp.where(big, m * 0.5, m)
    e = jnp.where(big, e + 1, e)
    t = (m - 1.0) / (m + 1.0)
    t2 = t * t
    s = 2.0 * t * (1.0 + t2 * (1.0 / 3.0 + t2 * (0.2 + t2 * (1.0 / 7.0 + t2 * (1.0 / 9.0)))))
    return e.astype(jnp.float32) * _LN2 + s


def _body(pred_hbm, label_hbm, out_hbm, pv, lv, mask_v, out_v, sem0, sem1):
    c1 = pltpu.async_copy(pred_hbm, pv, sem0)
    c2 = pltpu.async_copy(label_hbm, lv, sem1)
    c1.wait()
    c2.wait()

    lane = lax.iota(jnp.int32, _L)
    zeros = jnp.zeros((_L,), jnp.float32)
    mask_v[0:_L] = zeros
    mask_v[_L:2 * _L] = zeros

    lidx = jnp.minimum(lane, _M - 1) * 4
    lx = plsc.load_gather(lv, [lidx])
    ly = plsc.load_gather(lv, [lidx + 1])
    lr = plsc.load_gather(lv, [lidx + 2])

    def _step(n, carry):
        mincost, amin = carry
        base = jnp.broadcast_to(4 * n, (_L,)).astype(jnp.int32)
        px = plsc.load_gather(pv, [base])
        py = plsc.load_gather(pv, [base + 1])
        pr = plsc.load_gather(pv, [base + 2])
        dx = lx - px
        dy = ly - py
        dist = _vsqrt(dx * dx + dy * dy)
        rdiff = jnp.abs(lr - pr)
        cost = _LAMBDA_POS * dist + _LAMBDA_RAD * rdiff
        upd = cost < mincost
        return (jnp.where(upd, cost, mincost), jnp.where(upd, n, amin))

    mincost, amin = lax.fori_loop(
        0, _N,
        _step,
        (jnp.full((_L,), 3.0e38, jnp.float32), jnp.zeros((_L,), jnp.int32)),
    )

    label_ok = lane < _M
    sel_p = plsc.load_gather(pv, [amin * 4 + 3])
    pair = mincost + (-_vlog(sel_p + 1.0e-6))
    loss_pair = jnp.sum(jnp.where(label_ok, pair, 0.0))

    plsc.store_scatter(mask_v, [amin], jnp.ones((_L,), jnp.float32),
                       mask=label_ok)

    loss_unpair = jnp.float32(0.0)
    for half in range(2):
        pm = mask_v[pl.ds(half * _L, _L)]
        pidx = jnp.minimum(lane + half * _L, _N - 1)
        pp = plsc.load_gather(pv, [pidx * 4 + 3])
        pr = plsc.load_gather(pv, [pidx * 4 + 2])
        term = (-_vlog(1.0 - pp + 1.0e-6) + _LAMBDA_RAD * pr) * _LAMBDA_UNPAIR
        ok = jnp.logical_and(pm == 0.0, (lane + half * _L) < _N)
        loss_unpair = loss_unpair + jnp.sum(jnp.where(ok, term, 0.0))

    loss = loss_pair * (1.0 / _M) + loss_unpair * (1.0 / (_N - _M))
    out_v[:] = jnp.broadcast_to(loss, (_L,))
    pltpu.sync_copy(out_v, out_hbm)


_sc_loss = pl.kernel(
    _body,
    out_type=jax.ShapeDtypeStruct((_L,), jnp.float32),
    mesh=plsc.VectorSubcoreMesh(core_axis_name="c", subcore_axis_name="s",
                                num_cores=1, num_subcores=1),
    compiler_params=pltpu.CompilerParams(
        needs_layout_passes=False,
        disable_bounds_checks=True,
        disable_semaphore_checks=True,
        skip_device_barrier=True,
    ),
    scratch_types=[
        pltpu.VMEM((4 * _N,), jnp.float32),
        pltpu.VMEM((4 * _M,), jnp.float32),
        pltpu.VMEM((2 * _L,), jnp.float32),
        pltpu.VMEM((_L,), jnp.float32),
        pltpu.SemaphoreType.DMA,
        pltpu.SemaphoreType.DMA,
    ],
)


@jax.jit
def kernel(pred, label):
    return _sc_loss(pred.reshape(4 * _N), label.reshape(4 * _M))[0]

# --- scband reference (transcript-rebuilt; emitter-appended) ---
"""Pipeline reference for scband-my-loss-17463337025647 (READ-ONLY COPY).

The authoritative reference and input builder live on the scoring server;
editing this copy changes nothing except your own understanding.
"""

import jax, jax.numpy as jnp
import numpy as np

LAMBDA_POS = 0.5
LAMBDA_RAD = 0.5
LAMBDA_UNPAIR = 0.5
N_PRED = 20


def setup_inputs(seed: int = 0) -> dict:
    key = jax.random.key(seed)
    k1, k2 = jax.random.split(key)
    # pred[:, 3] is a probability consumed by log(p + 1e-6) and log(1 - p + 1e-6),
    # so uniform [0, 1) values are in-range. Positions/radii also uniform.
    pred = jax.random.uniform(k1, (N_PRED, 4), dtype=jnp.float32)
    label = jax.random.uniform(k2, (12, 4), dtype=jnp.float32)
    return {"pred": pred, "label": label}


def _prob_loss(y_hat, y):
    return -y * jnp.log(y_hat + 1e-6) - (1.0 - y) * jnp.log(1.0 - y_hat + 1e-6)


def reference(pred, label):
    M = label.shape[0]
    # Pairwise cost matrix [M, N_PRED]: lambda_pos * euclid_dist + lambda_rad * |r_y - r_yhat|
    dx = label[:, None, 0] - pred[None, :, 0]
    dy = label[:, None, 1] - pred[None, :, 1]
    dist = jnp.sqrt(dx ** 2 + dy ** 2)
    rdiff = jnp.abs(label[:, None, 2] - pred[None, :, 2])
    cost = LAMBDA_POS * dist + LAMBDA_RAD * rdiff
    # torch loop uses strict '<' so it keeps the FIRST minimum; jnp.argmin also returns first min.
    paired_idx = jnp.argmin(cost, axis=1)
    sel = jnp.take(pred, paired_idx, axis=0)
    # pair_loss per label
    pdist = jnp.sqrt((label[:, 0] - sel[:, 0]) ** 2 + (label[:, 1] - sel[:, 1]) ** 2)
    prdiff = jnp.abs(label[:, 2] - sel[:, 2])
    prob = _prob_loss(sel[:, 3], 1.0)
    loss_pair = jnp.sum(LAMBDA_POS * pdist + LAMBDA_RAD * prdiff + prob)
    # pair_mask[paired_idx] = 1 (scatter-overwrite; duplicates just re-set to 1)
    pair_mask = jnp.zeros((N_PRED,), dtype=pred.dtype).at[paired_idx].set(1.0)
    # unpaired loss over predictions never selected
    unpair_terms = (_prob_loss(pred[:, 3], 0.0) + LAMBDA_RAD * pred[:, 2]) * LAMBDA_UNPAIR
    loss_unpair = jnp.sum(jnp.where(pair_mask == 0, unpair_terms, jnp.zeros_like(unpair_terms)))
    return loss_pair / M + loss_unpair / (N_PRED - M)

if __name__ == "__main__":
    import jax
    _d = setup_inputs()
    print(jax.jit(kernel)(*tuple(_d.values())))

</pallas_src>

<mosaic_0001>
#map = affine_map<(d0, d1) -> (0)>
module attributes {stable_mosaic.version = 14 : i64} {
  func.func @_body(%arg0: i32, %arg1: i32, %arg2: memref<80xf32, #tpu.memory_space<hbm>>, %arg3: memref<48xf32, #tpu.memory_space<hbm>>, %arg4: memref<16xf32, #tpu.memory_space<hbm>>, %arg5: memref<80xf32, #tpu.memory_space<vmem>>, %arg6: memref<48xf32, #tpu.memory_space<vmem>>, %arg7: memref<32xf32, #tpu.memory_space<vmem>>, %arg8: memref<16xf32, #tpu.memory_space<vmem>>, %arg9: memref<!tpu.dma_semaphore, #tpu.memory_space<semaphore_mem>>, %arg10: memref<!tpu.dma_semaphore, #tpu.memory_space<semaphore_mem>>) attributes {dimension_semantics = [#tpu.dimension_semantics<core_parallel>, #tpu.dimension_semantics<subcore_parallel>], iteration_bounds = array<i64: 1, 1>, scalar_prefetch = 0 : i64, scratch_operands = 6 : i64, tpu.core_type = #tpu.core_type<sc_vector_subcore>, window_params = [{transform_indices = #map}, {transform_indices = #map}, {transform_indices = #map}]} {
    tpu.enqueue_dma source(%arg2 : memref<80xf32, #tpu.memory_space<hbm>>) target(%arg5 : memref<80xf32, #tpu.memory_space<vmem>>) target_semaphore(%arg9 : memref<!tpu.dma_semaphore, #tpu.memory_space<semaphore_mem>>)
    tpu.enqueue_dma source(%arg3 : memref<48xf32, #tpu.memory_space<hbm>>) target(%arg6 : memref<48xf32, #tpu.memory_space<vmem>>) target_semaphore(%arg10 : memref<!tpu.dma_semaphore, #tpu.memory_space<semaphore_mem>>)
    tpu.wait_dma2 semaphore(%arg9 : memref<!tpu.dma_semaphore, #tpu.memory_space<semaphore_mem>>) src(%arg2 : memref<80xf32, #tpu.memory_space<hbm>>) dst(%arg5 : memref<80xf32, #tpu.memory_space<vmem>>)
    tpu.wait_dma2 semaphore(%arg10 : memref<!tpu.dma_semaphore, #tpu.memory_space<semaphore_mem>>) src(%arg3 : memref<48xf32, #tpu.memory_space<hbm>>) dst(%arg6 : memref<48xf32, #tpu.memory_space<vmem>>)
    %iota3A = tpu.iota {dimensions = array<i32: 0>} : vector<16xi32>
    %broadcast_in_dim3A = arith.constant 0.000000e+00 : f32
    %broadcast_in_dim3A_0 = vector.broadcast %broadcast_in_dim3A : f32 to vector<16xf32>
    %swap3A = arith.constant 0 : index
    %swap3A_1 = tpu.vector_load %arg7[%swap3A] {strides = array<i32>} : memref<32xf32, #tpu.memory_space<vmem>>, vector<16xf32>,
    tpu.vector_store %arg7[%swap3A], %broadcast_in_dim3A_0 {strides = array<i32>} : memref<32xf32, #tpu.memory_space<vmem>>, vector<16xf32>,
    %swap3A_2 = arith.constant 16 : index
    %swap3A_3 = tpu.vector_load %arg7[%swap3A_2] {strides = array<i32>} : memref<32xf32, #tpu.memory_space<vmem>>, vector<16xf32>,
    tpu.vector_store %arg7[%swap3A_2], %broadcast_in_dim3A_0 {strides = array<i32>} : memref<32xf32, #tpu.memory_space<vmem>>, vector<16xf32>,
    %min3A = arith.constant 11 : i32
    %min3A_4 = vector.broadcast %min3A : i32 to vector<16xi32>
    %min3A_5 = arith.minsi %iota3A, %min3A_4 : vector<16xi32>
    %mul3A = arith.constant 4 : i32
    %mul3A_6 = vector.broadcast %mul3A : i32 to vector<16xi32>
    %mul3A_7 = arith.muli %min3A_5, %mul3A_6 : vector<16xi32>
    %gather3A = tpu.vector_load_idx %arg6[%mul3A_7] : memref<48xf32, #tpu.memory_space<vmem>>[vector<16xi32>], vector<16xf32>,
    %add3A = arith.constant 1 : i32
    %add3A_8 = vector.broadcast %add3A : i32 to vector<16xi32>
    %add3A_9 = arith.addi %mul3A_7, %add3A_8 : vector<16xi32>
    %gather3A_10 = tpu.vector_load_idx %arg6[%add3A_9] : memref<48xf32, #tpu.memory_space<vmem>>[vector<16xi32>], vector<16xf32>,
    %add3A_11 = arith.constant 2 : i32
    %add3A_12 = vector.broadcast %add3A_11 : i32 to vector<16xi32>
    %add3A_13 = arith.addi %mul3A_7, %add3A_12 : vector<16xi32>
    %gather3A_14 = tpu.vector_load_idx %arg6[%add3A_13] : memref<48xf32, #tpu.memory_space<vmem>>[vector<16xi32>], vector<16xf32>,
    %broadcast_in_dim3A_15 = arith.constant 3.000000e+38 : f32
    %broadcast_in_dim3A_16 = vector.broadcast %broadcast_in_dim3A_15 : f32 to vector<16xf32>
    %broadcast_in_dim3A_17 = arith.constant 0 : i32
    %broadcast_in_dim3A_18 = vector.broadcast %broadcast_in_dim3A_17 : i32 to vector<16xi32>
    %scan3A = arith.constant 0 : i32
    %scan3A_19 = arith.constant 20 : i32
    %scan3A_20 = arith.addi %scan3A, %scan3A_19 : i32
    %scan3A_21 = arith.constant 1 : i32
    %scan3A_22:2 = scf.for %scan3A_345 = %scan3A to %scan3A_20 step %scan3A_21 iter_args(%scan3A_346 = %broadcast_in_dim3A_16, %scan3A_347 = %broadcast_in_dim3A_18) -> (vector<16xf32>, vector<16xi32>)  : i32 {
      %mul3A_348 = arith.constant 4 : i32
      %mul3A_349 = arith.muli %mul3A_348, %scan3A_345 : i32
      %broadcast_in_dim3A_350 = vector.broadcast %mul3A_349 : i32 to vector<16xi32>
      %gather3A_351 = tpu.vector_load_idx %arg5[%broadcast_in_dim3A_350] : memref<80xf32, #tpu.memory_space<vmem>>[vector<16xi32>], vector<16xf32>,
      %add3A_352 = arith.constant 1 : i32
      %add3A_353 = vector.broadcast %add3A_352 : i32 to vector<16xi32>
      %add3A_354 = arith.addi %broadcast_in_dim3A_350, %add3A_353 : vector<16xi32>
      %gather3A_355 = tpu.vector_load_idx %arg5[%add3A_354] : memref<80xf32, #tpu.memory_space<vmem>>[vector<16xi32>], vector<16xf32>,
      %add3A_356 = arith.constant 2 : i32
      %add3A_357 = vector.broadcast %add3A_356 : i32 to vector<16xi32>
      %add3A_358 = arith.addi %broadcast_in_dim3A_350, %add3A_357 : vector<16xi32>
      %gather3A_359 = tpu.vector_load_idx %arg5[%add3A_358] : memref<80xf32, #tpu.memory_space<vmem>>[vector<16xi32>], vector<16xf32>,
      %sub3A_360 = arith.subf %gather3A, %gather3A_351 : vector<16xf32>
      %sub3A_361 = arith.subf %gather3A_10, %gather3A_355 : vector<16xf32>
      %mul3A_362 = arith.mulf %sub3A_360, %sub3A_360 : vector<16xf32>
      %mul3A_363 = arith.mulf %sub3A_361, %sub3A_361 : vector<16xf32>
      %add3A_364 = arith.addf %mul3A_362, %mul3A_363 : vector<16xf32>
      %bitcast_convert_type3A_365 = tpu.bitcast %add3A_364 : vector<16xf32> -> vector<16xi32>
      %shift_right_arithmetic3A_366 = arith.constant 1 : i32
      %shift_right_arithmetic3A_367 = vector.broadcast %shift_right_arithmetic3A_366 : i32 to vector<16xi32>
      %shift_right_arithmetic3A_368 = arith.shrsi %bitcast_convert_type3A_365, %shift_right_arithmetic3A_367 : vector<16xi32>
      %sub3A_369 = arith.constant 1597463007 : i32
      %sub3A_370 = vector.broadcast %sub3A_369 : i32 to vector<16xi32>
      %sub3A_371 = arith.subi %sub3A_370, %shift_right_arithmetic3A_368 : vector<16xi32>
      %bitcast_convert_type3A_372 = tpu.bitcast %sub3A_371 : vector<16xi32> -> vector<16xf32>
      %mul3A_373 = arith.constant 5.000000e-01 : f32
      %mul3A_374 = vector.broadcast %mul3A_373 : f32 to vector<16xf32>
      %mul3A_375 = arith.mulf %mul3A_374, %add3A_364 : vector<16xf32>
      %mul3A_376 = arith.mulf %mul3A_375, %bitcast_convert_type3A_372 : vector<16xf32>
      %mul3A_377 = arith.mulf %mul3A_376, %bitcast_convert_type3A_372 : vector<16xf32>
      %sub3A_378 = arith.constant 1.500000e+00 : f32
      %sub3A_379 = vector.broadcast %sub3A_378 : f32 to vector<16xf32>
      %sub3A_380 = arith.subf %sub3A_379, %mul3A_377 : vector<16xf32>
      %mul3A_381 = arith.mulf %bitcast_convert_type3A_372, %sub3A_380 : vector<16xf32>
      %mul3A_382 = arith.constant 5.000000e-01 : f32
      %mul3A_383 = vector.broadcast %mul3A_382 : f32 to vector<16xf32>
      %mul3A_384 = arith.mulf %mul3A_383, %add3A_364 : vector<16xf32>
      %mul3A_385 = arith.mulf %mul3A_384, %mul3A_381 : vector<16xf32>
      %mul3A_386 = arith.mulf %mul3A_385, %mul3A_381 : vector<16xf32>
      %sub3A_387 = arith.constant 1.500000e+00 : f32
      %sub3A_388 = vector.broadcast %sub3A_387 : f32 to vector<16xf32>
      %sub3A_389 = arith.subf %sub3A_388, %mul3A_386 : vector<16xf32>
      %mul3A_390 = arith.mulf %mul3A_381, %sub3A_389 : vector<16xf32>
      %mul3A_391 = arith.constant 5.000000e-01 : f32
      %mul3A_392 = vector.broadcast %mul3A_391 : f32 to vector<16xf32>
      %mul3A_393 = arith.mulf %mul3A_392, %add3A_364 : vector<16xf32>
      %mul3A_394 = arith.mulf %mul3A_393, %mul3A_390 : vector<16xf32>
      %mul3A_395 = arith.mulf %mul3A_394, %mul3A_390 : vector<16xf32>
      %sub3A_396 = arith.constant 1.500000e+00 : f32
      %sub3A_397 = vector.broadcast %sub3A_396 : f32 to vector<16xf32>
      %sub3A_398 = arith.subf %sub3A_397, %mul3A_395 : vector<16xf32>
      %mul3A_399 = arith.mulf %mul3A_390, %sub3A_398 : vector<16xf32>
      %mul3A_400 = arith.mulf %add3A_364, %mul3A_399 : vector<16xf32>
      %add3A_401 = arith.constant 1.000000e-30 : f32
      %add3A_402 = vector.broadcast %add3A_401 : f32 to vector<16xf32>
      %add3A_403 = arith.addf %mul3A_400, %add3A_402 : vector<16xf32>
      %div3A_404 = arith.divf %add3A_364, %add3A_403 : vector<16xf32>
      %add3A_405 = arith.addf %mul3A_400, %div3A_404 : vector<16xf32>
      %mul3A_406 = arith.constant 5.000000e-01 : f32
      %mul3A_407 = vector.broadcast %mul3A_406 : f32 to vector<16xf32>
      %mul3A_408 = arith.mulf %mul3A_407, %add3A_405 : vector<16xf32>
      %sub3A_409 = arith.subf %gather3A_14, %gather3A_359 : vector<16xf32>
      %abs3A = math.absf %sub3A_409 : vector<16xf32>
      %mul3A_410 = arith.constant 5.000000e-01 : f32
      %mul3A_411 = vector.broadcast %mul3A_410 : f32 to vector<16xf32>
      %mul3A_412 = arith.mulf %mul3A_411, %mul3A_408 : vector<16xf32>
      %mul3A_413 = arith.constant 5.000000e-01 : f32
      %mul3A_414 = vector.broadcast %mul3A_413 : f32 to vector<16xf32>
      %mul3A_415 = arith.mulf %mul3A_414, %abs3A : vector<16xf32>
      %add3A_416 = arith.addf %mul3A_412, %mul3A_415 : vector<16xf32>
      %lt3A_417 = arith.cmpf olt, %add3A_416, %scan3A_346 : vector<16xf32>
      %select_n3A_418 = arith.select %lt3A_417, %add3A_416, %scan3A_346 : vector<16xi1>, vector<16xf32>
      %broadcast_in_dim3A_419 = vector.broadcast %scan3A_345 : i32 to vector<16xi32>
      %select_n3A_420 = arith.select %lt3A_417, %broadcast_in_dim3A_419, %scan3A_347 : vector<16xi1>, vector<16xi32>
      scf.yield %select_n3A_418, %select_n3A_420 : vector<16xf32>, vector<16xi32>
    }
    %scan3A_23 = arith.constant 20 : i32
    %lt3A = arith.constant 12 : i32
    %lt3A_24 = vector.broadcast %lt3A : i32 to vector<16xi32>
    %lt3A_25 = arith.cmpi slt, %iota3A, %lt3A_24 : vector<16xi32>
    %mul3A_26 = arith.constant 4 : i32
    %mul3A_27 = vector.broadcast %mul3A_26 : i32 to vector<16xi32>
    %mul3A_28 = arith.muli %scan3A_22#1, %mul3A_27 : vector<16xi32>
    %add3A_29 = arith.constant 3 : i32
    %add3A_30 = vector.broadcast %add3A_29 : i32 to vector<16xi32>
    %add3A_31 = arith.addi %mul3A_28, %add3A_30 : vector<16xi32>
    %gather3A_32 = tpu.vector_load_idx %arg5[%add3A_31] : memref<80xf32, #tpu.memory_space<vmem>>[vector<16xi32>], vector<16xf32>,
    %add3A_33 = arith.constant 9.99999997E-7 : f32
    %add3A_34 = vector.broadcast %add3A_33 : f32 to vector<16xf32>
    %add3A_35 = arith.addf %gather3A_32, %add3A_34 : vector<16xf32>
    %bitcast_convert_type3A = tpu.bitcast %add3A_35 : vector<16xf32> -> vector<16xi32>
    %shift_right_arithmetic3A = arith.constant 23 : i32
    %shift_right_arithmetic3A_36 = vector.broadcast %shift_right_arithmetic3A : i32 to vector<16xi32>
    %shift_right_arithmetic3A_37 = arith.shrsi %bitcast_convert_type3A, %shift_right_arithmetic3A_36 : vector<16xi32>
    %and3A = arith.constant 255 : i32
    %and3A_38 = vector.broadcast %and3A : i32 to vector<16xi32>
    %and3A_39 = arith.andi %shift_right_arithmetic3A_37, %and3A_38 : vector<16xi32>
    %sub3A = arith.constant 127 : i32
    %sub3A_40 = vector.broadcast %sub3A : i32 to vector<16xi32>
    %sub3A_41 = arith.subi %and3A_39, %sub3A_40 : vector<16xi32>
    %and3A_42 = arith.constant 8388607 : i32
    %and3A_43 = vector.broadcast %and3A_42 : i32 to vector<16xi32>
    %and3A_44 = arith.andi %bitcast_convert_type3A, %and3A_43 : vector<16xi32>
    %or3A = arith.constant 1065353216 : i32
    %or3A_45 = vector.broadcast %or3A : i32 to vector<16xi32>
    %or3A_46 = arith.ori %and3A_44, %or3A_45 : vector<16xi32>
    %bitcast_convert_type3A_47 = tpu.bitcast %or3A_46 : vector<16xi32> -> vector<16xf32>
    %gt3A = arith.constant 1.41421354 : f32
    %gt3A_48 = vector.broadcast %gt3A : f32 to vector<16xf32>
    %gt3A_49 = arith.cmpf ogt, %bitcast_convert_type3A_47, %gt3A_48 : vector<16xf32>
    %mul3A_50 = arith.constant 5.000000e-01 : f32
    %mul3A_51 = vector.broadcast %mul3A_50 : f32 to vector<16xf32>
    %mul3A_52 = arith.mulf %bitcast_convert_type3A_47, %mul3A_51 : vector<16xf32>
    %select_n3A = arith.select %gt3A_49, %mul3A_52, %bitcast_convert_type3A_47 : vector<16xi1>, vector<16xf32>
    %add3A_53 = arith.constant 1 : i32
    %add3A_54 = vector.broadcast %add3A_53 : i32 to vector<16xi32>
    %add3A_55 = arith.addi %sub3A_41, %add3A_54 : vector<16xi32>
    %select_n3A_56 = arith.select %gt3A_49, %add3A_55, %sub3A_41 : vector<16xi1>, vector<16xi32>
    %sub3A_57 = arith.constant 1.000000e+00 : f32
    %sub3A_58 = vector.broadcast %sub3A_57 : f32 to vector<16xf32>
    %sub3A_59 = arith.subf %select_n3A, %sub3A_58 : vector<16xf32>
    %add3A_60 = arith.constant 1.000000e+00 : f32
    %add3A_61 = vector.broadcast %add3A_60 : f32 to vector<16xf32>
    %add3A_62 = arith.addf %select_n3A, %add3A_61 : vector<16xf32>
    %div3A = arith.divf %sub3A_59, %add3A_62 : vector<16xf32>
    %mul3A_63 = arith.mulf %div3A, %div3A : vector<16xf32>
    %mul3A_64 = arith.constant 2.000000e+00 : f32
    %mul3A_65 = vector.broadcast %mul3A_64 : f32 to vector<16xf32>
    %mul3A_66 = arith.mulf %mul3A_65, %div3A : vector<16xf32>
    %mul3A_67 = arith.constant 0.111111112 : f32
    %mul3A_68 = vector.broadcast %mul3A_67 : f32 to vector<16xf32>
    %mul3A_69 = arith.mulf %mul3A_63, %mul3A_68 : vector<16xf32>
    %add3A_70 = arith.constant 0.142857149 : f32
    %add3A_71 = vector.broadcast %add3A_70 : f32 to vector<16xf32>
    %add3A_72 = arith.addf %add3A_71, %mul3A_69 : vector<16xf32>
    %mul3A_73 = arith.mulf %mul3A_63, %add3A_72 : vector<16xf32>
    %add3A_74 = arith.constant 2.000000e-01 : f32
    %add3A_75 = vector.broadcast %add3A_74 : f32 to vector<16xf32>
    %add3A_76 = arith.addf %add3A_75, %mul3A_73 : vector<16xf32>
    %mul3A_77 = arith.mulf %mul3A_63, %add3A_76 : vector<16xf32>
    %add3A_78 = arith.constant 0.333333343 : f32
    %add3A_79 = vector.broadcast %add3A_78 : f32 to vector<16xf32>
    %add3A_80 = arith.addf %add3A_79, %mul3A_77 : vector<16xf32>
    %mul3A_81 = arith.mulf %mul3A_63, %add3A_80 : vector<16xf32>
    %add3A_82 = arith.constant 1.000000e+00 : f32
    %add3A_83 = vector.broadcast %add3A_82 : f32 to vector<16xf32>
    %add3A_84 = arith.addf %add3A_83, %mul3A_81 : vector<16xf32>
    %mul3A_85 = arith.mulf %mul3A_66, %add3A_84 : vector<16xf32>
    %convert_element_type3A = arith.sitofp %select_n3A_56 : vector<16xi32> to vector<16xf32>
    %mul3A_86 = arith.constant 0.693147182 : f32
    %mul3A_87 = vector.broadcast %mul3A_86 : f32 to vector<16xf32>
    %mul3A_88 = arith.mulf %convert_element_type3A, %mul3A_87 : vector<16xf32>
    %add3A_89 = arith.addf %mul3A_88, %mul3A_85 : vector<16xf32>
    %neg3A = arith.constant 0.000000e+00 : f32
    %neg3A_90 = vector.broadcast %neg3A : f32 to vector<16xf32>
    %neg3A_91 = arith.subf %neg3A_90, %add3A_89 : vector<16xf32>
    %add3A_92 = arith.addf %scan3A_22#0, %neg3A_91 : vector<16xf32>
    %jit3A = arith.constant 0.000000e+00 : f32
    %broadcast_in_dim3A_93 = vector.broadcast %jit3A : f32 to vector<16xf32>
    %select_n3A_94 = arith.select %lt3A_25, %add3A_92, %broadcast_in_dim3A_93 : vector<16xi1>, vector<16xf32>
    %reduce_sum3A = arith.constant true
    %reduce_sum3A_95 = vector.broadcast %reduce_sum3A : i1 to vector<16xi1>
    %reduce_sum3A_96 = tpu.scan <sum>, %select_n3A_94 masked %reduce_sum3A_95 : vector<16xf32>, vector<16xi1> -> vector<16xf32>
    %reduce_sum3A_97 = vector.extract %reduce_sum3A_96[15] : f32 from vector<16xf32>
    %broadcast_in_dim3A_98 = arith.constant 1.000000e+00 : f32
    %broadcast_in_dim3A_99 = vector.broadcast %broadcast_in_dim3A_98 : f32 to vector<16xf32>
    tpu.vector_store_idx %arg7[%scan3A_22#1], %broadcast_in_dim3A_99 masked %lt3A_25 : memref<32xf32, #tpu.memory_space<vmem>>[vector<16xi32>], vector<16xf32>, vector<16xi1>
    %get3A = arith.constant 0 : index
    %get3A_100 = tpu.vector_load %arg7[%get3A] {strides = array<i32>} : memref<32xf32, #tpu.memory_space<vmem>>, vector<16xf32>,
    %add3A_101 = arith.constant 0 : i32
    %add3A_102 = vector.broadcast %add3A_101 : i32 to vector<16xi32>
    %add3A_103 = arith.addi %iota3A, %add3A_102 : vector<16xi32>
    %min3A_104 = arith.constant 19 : i32
    %min3A_105 = vector.broadcast %min3A_104 : i32 to vector<16xi32>
    %min3A_106 = arith.minsi %add3A_103, %min3A_105 : vector<16xi32>
    %mul3A_107 = arith.constant 4 : i32
    %mul3A_108 = vector.broadcast %mul3A_107 : i32 to vector<16xi32>
    %mul3A_109 = arith.muli %min3A_106, %mul3A_108 : vector<16xi32>
    %add3A_110 = arith.constant 3 : i32
    %add3A_111 = vector.broadcast %add3A_110 : i32 to vector<16xi32>
    %add3A_112 = arith.addi %mul3A_109, %add3A_111 : vector<16xi32>
    %gather3A_113 = tpu.vector_load_idx %arg5[%add3A_112] : memref<80xf32, #tpu.memory_space<vmem>>[vector<16xi32>], vector<16xf32>,
    %mul3A_114 = arith.constant 4 : i32
    %mul3A_115 = vector.broadcast %mul3A_114 : i32 to vector<16xi32>
    %mul3A_116 = arith.muli %min3A_106, %mul3A_115 : vector<16xi32>
    %add3A_117 = arith.constant 2 : i32
    %add3A_118 = vector.broadcast %add3A_117 : i32 to vector<16xi32>
    %add3A_119 = arith.addi %mul3A_116, %add3A_118 : vector<16xi32>
    %gather3A_120 = tpu.vector_load_idx %arg5[%add3A_119] : memref<80xf32, #tpu.memory_space<vmem>>[vector<16xi32>], vector<16xf32>,
    %sub3A_121 = arith.constant 1.000000e+00 : f32
    %sub3A_122 = vector.broadcast %sub3A_121 : f32 to vector<16xf32>
    %sub3A_123 = arith.subf %sub3A_122, %gather3A_113 : vector<16xf32>
    %add3A_124 = arith.constant 9.99999997E-7 : f32
    %add3A_125 = vector.broadcast %add3A_124 : f32 to vector<16xf32>
    %add3A_126 = arith.addf %sub3A_123, %add3A_125 : vector<16xf32>
    %bitcast_convert_type3A_127 = tpu.bitcast %add3A_126 : vector<16xf32> -> vector<16xi32>
    %shift_right_arithmetic3A_128 = arith.constant 23 : i32
    %shift_right_arithmetic3A_129 = vector.broadcast %shift_right_arithmetic3A_128 : i32 to vector<16xi32>
    %shift_right_arithmetic3A_130 = arith.shrsi %bitcast_convert_type3A_127, %shift_right_arithmetic3A_129 : vector<16xi32>
    %and3A_131 = arith.constant 255 : i32
    %and3A_132 = vector.broadcast %and3A_131 : i32 to vector<16xi32>
    %and3A_133 = arith.andi %shift_right_arithmetic3A_130, %and3A_132 : vector<16xi32>
    %sub3A_134 = arith.constant 127 : i32
    %sub3A_135 = vector.broadcast %sub3A_134 : i32 to vector<16xi32>
    %sub3A_136 = arith.subi %and3A_133, %sub3A_135 : vector<16xi32>
    %and3A_137 = arith.constant 8388607 : i32
    %and3A_138 = vector.broadcast %and3A_137 : i32 to vector<16xi32>
    %and3A_139 = arith.andi %bitcast_convert_type3A_127, %and3A_138 : vector<16xi32>
    %or3A_140 = arith.constant 1065353216 : i32
    %or3A_141 = vector.broadcast %or3A_140 : i32 to vector<16xi32>
    %or3A_142 = arith.ori %and3A_139, %or3A_141 : vector<16xi32>
    %bitcast_convert_type3A_143 = tpu.bitcast %or3A_142 : vector<16xi32> -> vector<16xf32>
    %gt3A_144 = arith.constant 1.41421354 : f32
    %gt3A_145 = vector.broadcast %gt3A_144 : f32 to vector<16xf32>
    %gt3A_146 = arith.cmpf ogt, %bitcast_convert_type3A_143, %gt3A_145 : vector<16xf32>
    %mul3A_147 = arith.constant 5.000000e-01 : f32
    %mul3A_148 = vector.broadcast %mul3A_147 : f32 to vector<16xf32>
    %mul3A_149 = arith.mulf %bitcast_convert_type3A_143, %mul3A_148 : vector<16xf32>
    %select_n3A_150 = arith.select %gt3A_146, %mul3A_149, %bitcast_convert_type3A_143 : vector<16xi1>, vector<16xf32>
    %add3A_151 = arith.constant 1 : i32
    %add3A_152 = vector.broadcast %add3A_151 : i32 to vector<16xi32>
    %add3A_153 = arith.addi %sub3A_136, %add3A_152 : vector<16xi32>
    %select_n3A_154 = arith.select %gt3A_146, %add3A_153, %sub3A_136 : vector<16xi1>, vector<16xi32>
    %sub3A_155 = arith.constant 1.000000e+00 : f32
    %sub3A_156 = vector.broadcast %sub3A_155 : f32 to vector<16xf32>
    %sub3A_157 = arith.subf %select_n3A_150, %sub3A_156 : vector<16xf32>
    %add3A_158 = arith.constant 1.000000e+00 : f32
    %add3A_159 = vector.broadcast %add3A_158 : f32 to vector<16xf32>
    %add3A_160 = arith.addf %select_n3A_150, %add3A_159 : vector<16xf32>
    %div3A_161 = arith.divf %sub3A_157, %add3A_160 : vector<16xf32>
    %mul3A_162 = arith.mulf %div3A_161, %div3A_161 : vector<16xf32>
    %mul3A_163 = arith.constant 2.000000e+00 : f32
    %mul3A_164 = vector.broadcast %mul3A_163 : f32 to vector<16xf32>
    %mul3A_165 = arith.mulf %mul3A_164, %div3A_161 : vector<16xf32>
    %mul3A_166 = arith.constant 0.111111112 : f32
    %mul3A_167 = vector.broadcast %mul3A_166 : f32 to vector<16xf32>
    %mul3A_168 = arith.mulf %mul3A_162, %mul3A_167 : vector<16xf32>
    %add3A_169 = arith.constant 0.142857149 : f32
    %add3A_170 = vector.broadcast %add3A_169 : f32 to vector<16xf32>
    %add3A_171 = arith.addf %add3A_170, %mul3A_168 : vector<16xf32>
    %mul3A_172 = arith.mulf %mul3A_162, %add3A_171 : vector<16xf32>
    %add3A_173 = arith.constant 2.000000e-01 : f32
    %add3A_174 = vector.broadcast %add3A_173 : f32 to vector<16xf32>
    %add3A_175 = arith.addf %add3A_174, %mul3A_172 : vector<16xf32>
    %mul3A_176 = arith.mulf %mul3A_162, %add3A_175 : vector<16xf32>
    %add3A_177 = arith.constant 0.333333343 : f32
    %add3A_178 = vector.broadcast %add3A_177 : f32 to vector<16xf32>
    %add3A_179 = arith.addf %add3A_178, %mul3A_176 : vector<16xf32>
    %mul3A_180 = arith.mulf %mul3A_162, %add3A_179 : vector<16xf32>
    %add3A_181 = arith.constant 1.000000e+00 : f32
    %add3A_182 = vector.broadcast %add3A_181 : f32 to vector<16xf32>
    %add3A_183 = arith.addf %add3A_182, %mul3A_180 : vector<16xf32>
    %mul3A_184 = arith.mulf %mul3A_165, %add3A_183 : vector<16xf32>
    %convert_element_type3A_185 = arith.sitofp %select_n3A_154 : vector<16xi32> to vector<16xf32>
    %mul3A_186 = arith.constant 0.693147182 : f32
    %mul3A_187 = vector.broadcast %mul3A_186 : f32 to vector<16xf32>
    %mul3A_188 = arith.mulf %convert_element_type3A_185, %mul3A_187 : vector<16xf32>
    %add3A_189 = arith.addf %mul3A_188, %mul3A_184 : vector<16xf32>
    %neg3A_190 = arith.constant 0.000000e+00 : f32
    %neg3A_191 = vector.broadcast %neg3A_190 : f32 to vector<16xf32>
    %neg3A_192 = arith.subf %neg3A_191, %add3A_189 : vector<16xf32>
    %mul3A_193 = arith.constant 5.000000e-01 : f32
    %mul3A_194 = vector.broadcast %mul3A_193 : f32 to vector<16xf32>
    %mul3A_195 = arith.mulf %mul3A_194, %gather3A_120 : vector<16xf32>
    %add3A_196 = arith.addf %neg3A_192, %mul3A_195 : vector<16xf32>
    %mul3A_197 = arith.constant 5.000000e-01 : f32
    %mul3A_198 = vector.broadcast %mul3A_197 : f32 to vector<16xf32>
    %mul3A_199 = arith.mulf %add3A_196, %mul3A_198 : vector<16xf32>
    %eq3A = arith.constant 0.000000e+00 : f32
    %eq3A_200 = vector.broadcast %eq3A : f32 to vector<16xf32>
    %eq3A_201 = arith.cmpf oeq, %get3A_100, %eq3A_200 : vector<16xf32>
    %add3A_202 = arith.constant 0 : i32
    %add3A_203 = vector.broadcast %add3A_202 : i32 to vector<16xi32>
    %add3A_204 = arith.addi %iota3A, %add3A_203 : vector<16xi32>
    %lt3A_205 = arith.constant 20 : i32
    %lt3A_206 = vector.broadcast %lt3A_205 : i32 to vector<16xi32>
    %lt3A_207 = arith.cmpi slt, %add3A_204, %lt3A_206 : vector<16xi32>
    %and3A_208 = arith.andi %eq3A_201, %lt3A_207 : vector<16xi1>
    %jit3A_209 = arith.constant 0.000000e+00 : f32
    %broadcast_in_dim3A_210 = vector.broadcast %jit3A_209 : f32 to vector<16xf32>
    %select_n3A_211 = arith.select %and3A_208, %mul3A_199, %broadcast_in_dim3A_210 : vector<16xi1>, vector<16xf32>
    %reduce_sum3A_212 = arith.constant true
    %reduce_sum3A_213 = vector.broadcast %reduce_sum3A_212 : i1 to vector<16xi1>
    %reduce_sum3A_214 = tpu.scan <sum>, %select_n3A_211 masked %reduce_sum3A_213 : vector<16xf32>, vector<16xi1> -> vector<16xf32>
    %reduce_sum3A_215 = vector.extract %reduce_sum3A_214[15] : f32 from vector<16xf32>
    %add3A_216 = arith.constant 0.000000e+00 : f32
    %add3A_217 = arith.addf %add3A_216, %reduce_sum3A_215 : f32
    %get3A_218 = arith.constant 16 : index
    %get3A_219 = tpu.vector_load %arg7[%get3A_218] {strides = array<i32>} : memref<32xf32, #tpu.memory_space<vmem>>, vector<16xf32>,
    %add3A_220 = arith.constant 16 : i32
    %add3A_221 = vector.broadcast %add3A_220 : i32 to vector<16xi32>
    %add3A_222 = arith.addi %iota3A, %add3A_221 : vector<16xi32>
    %min3A_223 = arith.constant 19 : i32
    %min3A_224 = vector.broadcast %min3A_223 : i32 to vector<16xi32>
    %min3A_225 = arith.minsi %add3A_222, %min3A_224 : vector<16xi32>
    %mul3A_226 = arith.constant 4 : i32
    %mul3A_227 = vector.broadcast %mul3A_226 : i32 to vector<16xi32>
    %mul3A_228 = arith.muli %min3A_225, %mul3A_227 : vector<16xi32>
    %add3A_229 = arith.constant 3 : i32
    %add3A_230 = vector.broadcast %add3A_229 : i32 to vector<16xi32>
    %add3A_231 = arith.addi %mul3A_228, %add3A_230 : vector<16xi32>
    %gather3A_232 = tpu.vector_load_idx %arg5[%add3A_231] : memref<80xf32, #tpu.memory_space<vmem>>[vector<16xi32>], vector<16xf32>,
    %mul3A_233 = arith.constant 4 : i32
    %mul3A_234 = vector.broadcast %mul3A_233 : i32 to vector<16xi32>
    %mul3A_235 = arith.muli %min3A_225, %mul3A_234 : vector<16xi32>
    %add3A_236 = arith.constant 2 : i32
    %add3A_237 = vector.broadcast %add3A_236 : i32 to vector<16xi32>
    %add3A_238 = arith.addi %mul3A_235, %add3A_237 : vector<16xi32>
    %gather3A_239 = tpu.vector_load_idx %arg5[%add3A_238] : memref<80xf32, #tpu.memory_space<vmem>>[vector<16xi32>], vector<16xf32>,
    %sub3A_240 = arith.constant 1.000000e+00 : f32
    %sub3A_241 = vector.broadcast %sub3A_240 : f32 to vector<16xf32>
    %sub3A_242 = arith.subf %sub3A_241, %gather3A_232 : vector<16xf32>
    %add3A_243 = arith.constant 9.99999997E-7 : f32
    %add3A_244 = vector.broadcast %add3A_243 : f32 to vector<16xf32>
    %add3A_245 = arith.addf %sub3A_242, %add3A_244 : vector<16xf32>
    %bitcast_convert_type3A_246 = tpu.bitcast %add3A_245 : vector<16xf32> -> vector<16xi32>
    %shift_right_arithmetic3A_247 = arith.constant 23 : i32
    %shift_right_arithmetic3A_248 = vector.broadcast %shift_right_arithmetic3A_247 : i32 to vector<16xi32>
    %shift_right_arithmetic3A_249 = arith.shrsi %bitcast_convert_type3A_246, %shift_right_arithmetic3A_248 : vector<16xi32>
    %and3A_250 = arith.constant 255 : i32
    %and3A_251 = vector.broadcast %and3A_250 : i32 to vector<16xi32>
    %and3A_252 = arith.andi %shift_right_arithmetic3A_249, %and3A_251 : vector<16xi32>
    %sub3A_253 = arith.constant 127 : i32
    %sub3A_254 = vector.broadcast %sub3A_253 : i32 to vector<16xi32>
    %sub3A_255 = arith.subi %and3A_252, %sub3A_254 : vector<16xi32>
    %and3A_256 = arith.constant 8388607 : i32
    %and3A_257 = vector.broadcast %and3A_256 : i32 to vector<16xi32>
    %and3A_258 = arith.andi %bitcast_convert_type3A_246, %and3A_257 : vector<16xi32>
    %or3A_259 = arith.constant 1065353216 : i32
    %or3A_260 = vector.broadcast %or3A_259 : i32 to vector<16xi32>
    %or3A_261 = arith.ori %and3A_258, %or3A_260 : vector<16xi32>
    %bitcast_convert_type3A_262 = tpu.bitcast %or3A_261 : vector<16xi32> -> vector<16xf32>
    %gt3A_263 = arith.constant 1.41421354 : f32
    %gt3A_264 = vector.broadcast %gt3A_263 : f32 to vector<16xf32>
    %gt3A_265 = arith.cmpf ogt, %bitcast_convert_type3A_262, %gt3A_264 : vector<16xf32>
    %mul3A_266 = arith.constant 5.000000e-01 : f32
    %mul3A_267 = vector.broadcast %mul3A_266 : f32 to vector<16xf32>
    %mul3A_268 = arith.mulf %bitcast_convert_type3A_262, %mul3A_267 : vector<16xf32>
    %select_n3A_269 = arith.select %gt3A_265, %mul3A_268, %bitcast_convert_type3A_262 : vector<16xi1>, vector<16xf32>
    %add3A_270 = arith.constant 1 : i32
    %add3A_271 = vector.broadcast %add3A_270 : i32 to vector<16xi32>
    %add3A_272 = arith.addi %sub3A_255, %add3A_271 : vector<16xi32>
    %select_n3A_273 = arith.select %gt3A_265, %add3A_272, %sub3A_255 : vector<16xi1>, vector<16xi32>
    %sub3A_274 = arith.constant 1.000000e+00 : f32
    %sub3A_275 = vector.broadcast %sub3A_274 : f32 to vector<16xf32>
    %sub3A_276 = arith.subf %select_n3A_269, %sub3A_275 : vector<16xf32>
    %add3A_277 = arith.constant 1.000000e+00 : f32
    %add3A_278 = vector.broadcast %add3A_277 : f32 to vector<16xf32>
    %add3A_279 = arith.addf %select_n3A_269, %add3A_278 : vector<16xf32>
    %div3A_280 = arith.divf %sub3A_276, %add3A_279 : vector<16xf32>
    %mul3A_281 = arith.mulf %div3A_280, %div3A_280 : vector<16xf32>
    %mul3A_282 = arith.constant 2.000000e+00 : f32
    %mul3A_283 = vector.broadcast %mul3A_282 : f32 to vector<16xf32>
    %mul3A_284 = arith.mulf %mul3A_283, %div3A_280 : vector<16xf32>
    %mul3A_285 = arith.constant 0.111111112 : f32
    %mul3A_286 = vector.broadcast %mul3A_285 : f32 to vector<16xf32>
    %mul3A_287 = arith.mulf %mul3A_281, %mul3A_286 : vector<16xf32>
    %add3A_288 = arith.constant 0.142857149 : f32
    %add3A_289 = vector.broadcast %add3A_288 : f32 to vector<16xf32>
    %add3A_290 = arith.addf %add3A_289, %mul3A_287 : vector<16xf32>
    %mul3A_291 = arith.mulf %mul3A_281, %add3A_290 : vector<16xf32>
    %add3A_292 = arith.constant 2.000000e-01 : f32
    %add3A_293 = vector.broadcast %add3A_292 : f32 to vector<16xf32>
    %add3A_294 = arith.addf %add3A_293, %mul3A_291 : vector<16xf32>
    %mul3A_295 = arith.mulf %mul3A_281, %add3A_294 : vector<16xf32>
    %add3A_296 = arith.constant 0.333333343 : f32
    %add3A_297 = vector.broadcast %add3A_296 : f32 to vector<16xf32>
    %add3A_298 = arith.addf %add3A_297, %mul3A_295 : vector<16xf32>
    %mul3A_299 = arith.mulf %mul3A_281, %add3A_298 : vector<16xf32>
    %add3A_300 = arith.constant 1.000000e+00 : f32
    %add3A_301 = vector.broadcast %add3A_300 : f32 to vector<16xf32>
    %add3A_302 = arith.addf %add3A_301, %mul3A_299 : vector<16xf32>
    %mul3A_303 = arith.mulf %mul3A_284, %add3A_302 : vector<16xf32>
    %convert_element_type3A_304 = arith.sitofp %select_n3A_273 : vector<16xi32> to vector<16xf32>
    %mul3A_305 = arith.constant 0.693147182 : f32
    %mul3A_306 = vector.broadcast %mul3A_305 : f32 to vector<16xf32>
    %mul3A_307 = arith.mulf %convert_element_type3A_304, %mul3A_306 : vector<16xf32>
    %add3A_308 = arith.addf %mul3A_307, %mul3A_303 : vector<16xf32>
    %neg3A_309 = arith.constant 0.000000e+00 : f32
    %neg3A_310 = vector.broadcast %neg3A_309 : f32 to vector<16xf32>
    %neg3A_311 = arith.subf %neg3A_310, %add3A_308 : vector<16xf32>
    %mul3A_312 = arith.constant 5.000000e-01 : f32
    %mul3A_313 = vector.broadcast %mul3A_312 : f32 to vector<16xf32>
    %mul3A_314 = arith.mulf %mul3A_313, %gather3A_239 : vector<16xf32>
    %add3A_315 = arith.addf %neg3A_311, %mul3A_314 : vector<16xf32>
    %mul3A_316 = arith.constant 5.000000e-01 : f32
    %mul3A_317 = vector.broadcast %mul3A_316 : f32 to vector<16xf32>
    %mul3A_318 = arith.mulf %add3A_315, %mul3A_317 : vector<16xf32>
    %eq3A_319 = arith.constant 0.000000e+00 : f32
    %eq3A_320 = vector.broadcast %eq3A_319 : f32 to vector<16xf32>
    %eq3A_321 = arith.cmpf oeq, %get3A_219, %eq3A_320 : vector<16xf32>
    %add3A_322 = arith.constant 16 : i32
    %add3A_323 = vector.broadcast %add3A_322 : i32 to vector<16xi32>
    %add3A_324 = arith.addi %iota3A, %add3A_323 : vector<16xi32>
    %lt3A_325 = arith.constant 20 : i32
    %lt3A_326 = vector.broadcast %lt3A_325 : i32 to vector<16xi32>
    %lt3A_327 = arith.cmpi slt, %add3A_324, %lt3A_326 : vector<16xi32>
    %and3A_328 = arith.andi %eq3A_321, %lt3A_327 : vector<16xi1>
    %jit3A_329 = arith.constant 0.000000e+00 : f32
    %broadcast_in_dim3A_330 = vector.broadcast %jit3A_329 : f32 to vector<16xf32>
    %select_n3A_331 = arith.select %and3A_328, %mul3A_318, %broadcast_in_dim3A_330 : vector<16xi1>, vector<16xf32>
    %reduce_sum3A_332 = arith.constant true
    %reduce_sum3A_333 = vector.broadcast %reduce_sum3A_332 : i1 to vector<16xi1>
    %reduce_sum3A_334 = tpu.scan <sum>, %select_n3A_331 masked %reduce_sum3A_333 : vector<16xf32>, vector<16xi1> -> vector<16xf32>
    %reduce_sum3A_335 = vector.extract %reduce_sum3A_334[15] : f32 from vector<16xf32>
    %add3A_336 = arith.addf %add3A_217, %reduce_sum3A_335 : f32
    %mul3A_337 = arith.constant 0.0833333358 : f32
    %mul3A_338 = arith.mulf %reduce_sum3A_97, %mul3A_337 : f32
    %mul3A_339 = arith.constant 1.250000e-01 : f32
    %mul3A_340 = arith.mulf %add3A_336, %mul3A_339 : f32
    %add3A_341 = arith.addf %mul3A_338, %mul3A_340 : f32
    %broadcast_in_dim3A_342 = vector.broadcast %add3A_341 : f32 to vector<16xf32>
    %swap3A_343 = arith.constant 0 : index
    %swap3A_344 = tpu.vector_load %arg8[%swap3A_343] {strides = array<i32>} : memref<16xf32, #tpu.memory_space<vmem>>, vector<16xf32>,
    tpu.vector_store %arg8[%swap3A_343], %broadcast_in_dim3A_342 {strides = array<i32>} : memref<16xf32, #tpu.memory_space<vmem>>, vector<16xf32>,
    "tpu.region"() ({
      %run_scoped3A = tpu.sem_alloc : memref<!tpu.dma_semaphore, #tpu.memory_space<semaphore_mem>>
      tpu.enqueue_dma source(%arg8 : memref<16xf32, #tpu.memory_space<vmem>>) target(%arg4 : memref<16xf32, #tpu.memory_space<hbm>>) target_semaphore(%run_scoped3A : memref<!tpu.dma_semaphore, #tpu.memory_space<semaphore_mem>>)
      tpu.wait_dma2 semaphore(%run_scoped3A : memref<!tpu.dma_semaphore, #tpu.memory_space<semaphore_mem>>) src(%arg8 : memref<16xf32, #tpu.memory_space<vmem>>) dst(%arg4 : memref<16xf32, #tpu.memory_space<hbm>>)
      tpu.yield
    }) : () -> ()
    return
  }
}

</mosaic_0001>

<sc_bundles>
// kernel: kernel.3.cloned.1.call-start
scs
__scs_entry_jumppad:
0x0: {  	(pc) =	sbr.rel $0x88, $3  }
0x1: {  	(tag) =	ssettag $0x0;
	lr =	simm.s32 $0x1  }
0x2: {  	[smem:$0x3F9F] =	sst lr;
	_ =	strace $0xD0000000  }
0x3: {  	_ = 	snop  }
0x4: {  	_ = 	snop  }
0x5: {  	_ = 	snop  }
0x6: {  	_ = 	snop  }
0x7: {  	_ = 	snop  }
__scs_overlays_trampoline_lowered:
0x8: {  	[smem:$0x3FAE] =	sst s0  }
0x9: {  	[smem:$0x3FAF] =	sst s1  }
0xa: {  	[smem:$0x3FB0] =	sst s2  }
0xb: {  	[smem:$0x3FB1] =	sst s3  }
0xc: {  	[smem:$0x3FB2] =	sst s4  }
0xd: {  	[smem:$0x3FB3] =	sst s5  }
0xe: {  	[smem:$0x3FB4] =	sst s6  }
0xf: {  	[smem:$0x3FB5] =	sst s7  }
0x10: {  	[smem:$0x3FB6] =	sst s8  }
0x11: {  	[smem:$0x3FB7] =	sst s9;
	s0 =	simm.s32 @!p0 $0x0  }
0x12: {  	s1 =	sld [smem:$0x3F9D];
	s0 =	simm.s32 @p0 $0x1  }
0x13: {  	[smem:$0x3FB8] =	sst s0;
	s0 =	simm.s32 @!p1 $0x0  }
0x14: {  	s2 =	sld [smem:$0x3F9C];
	s0 =	simm.s32 @p1 $0x1  }
0x15: {  	[smem:$0x3FB9] =	sst s0;
	s0 =	simm.s32 @!p2 $0x0  }
0x16: {  	s3 =	sld [smem:$0x3FDB];
	s0 =	simm.s32 @p2 $0x1  }
0x17: {  	s4 =	simm.s32 $0x1BF5;
	[smem:$0x3FBB] =	sst s0  }
0x18: {  	s0 =	sld [smem:$0x3F9E];
	_ =	swait.ge [sflag:s4], $0x0  }
0x19: {  	s7 =	sld [smem:$0x3F9F]  }
0x1a: {  	s8 =	sadd.s32 $0xFFFFE003, lr  }
0x1b: {  	s9 =	sadd.s32 $0xFFFFFEF7, lr;
	s5 =	simm.s32 $0xFFFFFFFF;
	p2 =	slt.u32 s8, $0xFFFFF086  }
0x1c: {  	p1 =	slt.u32 s9, $0xF7A;
	s5 =	simm.s32 @!p2 $0x0  }
0x1d: {  	s5 =	simm.s32 @p1 $0x1;
	p0 =	seq.s32 s7, s2  }
0x1e: {  	s7 =	smul.u32 @!p0 $0xF7A, s2;
	p2 =	seq.s32 @!p0 s5, $0x0  }
0x1f: {  	s9 =	smul.u32 $0xF7A, s1;
	s8 =	simm.s32 @!p0 $0x1BF5;
	p2 =	por !p2, p0  }
0x20: {  	[sflag:s8] =	ssyncset.s32 @!p0 $0xFFFFF086;
	s6 =	sadd.s32 @!p0 s3, s7;
	s7 =	simm.s32 @!p0 $0x108  }
0x21: {  	s3 =	sadd.s32 s3, s9;
	s6 =	sadd.s32 @!p0 $0x88, s6;
	s7 =	simm.s32 @p2 $0x1082  }
0x22: {  	[simem:s7], [sflag:s8] =	dma.local @!p0 [hbm:s6], $0xF7A  }
0x23: {  	s9 =	sor.u32 $0xD0000000, s2;
	s6 =	simm.s32 $0x108;
	_ =	swait.ge @!p0 [sflag:s8], $0x0  }
0x24: {  	s3 =	sadd.s32 $0x88, s3;
	s6 =	simm.s32 @!p1 $0x1082;
	[sflag:s4] =	ssyncset.s32 $0xFFFFF086  }
0x25: {  	[simem:s6], [sflag:s4] =	dma.local [hbm:s3], $0xF7A  }
0x26: {  	[smem:$0x3F9F] =	sst s1;
	(tag) =	ssettag s2;
	_ =	strace s9  }
0x27: {  	s1 =	sld [smem:$0x3FAF]  }
0x28: {  	s2 =	sld [smem:$0x3FB0]  }
0x29: {  	s4 =	sld [smem:$0x3FB2]  }
0x2a: {  	p0 =	seq.s32 s5, $0x0;
	s5 =	sld [smem:$0x3FB3]  }
0x2b: {  	s6 =	sld [smem:$0x3FB4]  }
0x2c: {  	s7 =	sld [smem:$0x3FB5]  }
0x2d: {  	s3 =	simm.s32 $0x108;
	s8 =	sld [smem:$0x3FB6]  }
0x2e: {  	s3 =	simm.s32 @!p0 $0x1082;
	s9 =	sld [smem:$0x3FB7]  }
0x2f: {  	lr =	sadd.s32 s0, s3;
	s0 =	sld [smem:$0x3FAE]  }
0x30: {  	s3 =	sld [smem:$0x3FB1]  }
0x31: {  	[smem:$0x3FBA] =	sst s10  }
0x32: {  	s10 =	sld [smem:$0x3FB8];
	_ =	sdelay $0x3  }
0x33: {  	p0 =	seq.s32 s10, $0x1;
	s10 =	sld [smem:$0x3FBA];
	_ =	sdelay $0x3  }
0x34: {  	[smem:$0x3FBA] =	sst s10  }
0x35: {  	s10 =	sld [smem:$0x3FB9];
	_ =	sdelay $0x3  }
0x36: {  	p1 =	seq.s32 s10, $0x1;
	s10 =	sld [smem:$0x3FBA];
	_ =	sdelay $0x3  }
0x37: {  	[smem:$0x3FBA] =	sst s10  }
0x38: {  	s10 =	sld [smem:$0x3FBB]  }
0x39: {  	_ = 	snop;
	(pc) =	sbr.ind lr, $3  }
0x3a: {  	_ = 	snop  }
0x3b: {  	_ = 	snop  }
0x3c: {  	p2 =	seq.s32 s10, $0x1;
	s10 =	sld [smem:$0x3FBA]  }
0x3d: {  	_ =	shalt  }
0x3e: {  	_ =	shalt  }
0x3f: {  	_ =	shalt  }
0x40: {  	_ =	shalt  }
0x41: {  	_ =	shalt  }
0x42: {  	_ =	shalt  }
0x43: {  	_ =	shalt  }
0x44: {  	_ =	shalt  }
0x45: {  	_ =	shalt  }
0x46: {  	_ =	shalt  }
0x47: {  	_ =	shalt  }
0x48: {  	_ =	shalt  }
0x49: {  	_ =	shalt  }
0x4a: {  	_ =	shalt  }
0x4b: {  	_ =	shalt  }
0x4c: {  	_ =	shalt  }
0x4d: {  	_ =	shalt  }
0x4e: {  	_ =	shalt  }
0x4f: {  	_ =	shalt  }
0x50: {  	_ =	shalt  }
0x51: {  	_ =	shalt  }
0x52: {  	_ =	shalt  }
0x53: {  	_ =	shalt  }
0x54: {  	_ =	shalt  }
0x55: {  	_ =	shalt  }
0x56: {  	_ =	shalt  }
0x57: {  	_ =	shalt  }
0x58: {  	_ =	shalt  }
0x59: {  	_ =	shalt  }
0x5a: {  	_ =	shalt  }
0x5b: {  	_ =	shalt  }
0x5c: {  	_ =	shalt  }
0x5d: {  	_ =	shalt  }
0x5e: {  	_ =	shalt  }
0x5f: {  	_ =	shalt  }
0x60: {  	_ =	shalt  }
0x61: {  	_ =	shalt  }
0x62: {  	_ =	shalt  }
0x63: {  	_ =	shalt  }
0x64: {  	_ =	shalt  }
0x65: {  	_ =	shalt  }
0x66: {  	_ =	shalt  }
0x67: {  	_ =	shalt  }
0x68: {  	_ =	shalt  }
0x69: {  	_ =	shalt  }
0x6a: {  	_ =	shalt  }
0x6b: {  	_ =	shalt  }
0x6c: {  	_ =	shalt  }
0x6d: {  	_ =	shalt  }
0x6e: {  	_ =	shalt  }
0x6f: {  	_ =	shalt  }
0x70: {  	_ =	shalt  }
0x71: {  	_ =	shalt  }
0x72: {  	_ =	shalt  }
0x73: {  	_ =	shalt  }
0x74: {  	_ =	shalt  }
0x75: {  	_ =	shalt  }
0x76: {  	_ =	shalt  }
0x77: {  	_ =	shalt  }
0x78: {  	_ =	shalt  }
0x79: {  	_ =	shalt  }
0x7a: {  	_ =	shalt  }
0x7b: {  	_ =	shalt  }
0x7c: {  	_ =	shalt  }
0x7d: {  	_ =	shalt  }
0x7e: {  	_ =	shalt  }
0x7f: {  	_ =	shalt  }
0x80: {  	_ =	shalt  }
0x81: {  	_ =	shalt  }
0x82: {  	_ =	shalt  }
0x83: {  	_ =	shalt  }
0x84: {  	_ =	shalt  }
0x85: {  	_ =	shalt  }
0x86: {  	_ =	shalt  }
0x87: {  	_ =	shalt  }
.Lfunc_end0:
.L_simem_size_0:
called_computation_lowered:
.L_overlay_start_0:
0x88: {  	s0 =	sld [smem:$0x3FD9]  }
0x89: {  	s1 =	sld [smem:$0x3FFE];
	_ =	sdelay $0x3  }
0x8a: {  	s0 =	sadd.s32 s1, s0  }
0x8b: {  	[smem:$0x3FC6] =	sst s0  }
0x8c: {  	_ = 	snop  }
0x8d: {  	s0 =	sld [smem:$0x3FD0];
	(tm) =	ssettm $0x1  }
0x8e: {  	s16 =	sld [smem:$0x3FFB];
	_ =	sdelay $0x3  }
0x8f: {  	_ =	strace s16  }
0x90: {  	s1 =	sld [smem:$0x3FFC];
	_ =	sdelay $0x3  }
0x91: {  	_ =	strace s1  }
0x92: {  	s1 =	sld [smem:$0x3FFD];
	_ =	sdelay $0x3  }
0x93: {  	_ =	strace s1  }
0x94: {  	_ =	strace $0x8FFFFFFF  }
0x95: {  	s17 =	sld [smem:$0x3FDB];
	_ =	sdelay $0x1  }
0x96: {  	s2 =	simm.s32 $_scs_section_size  }
0x97: {  	s3 =	simm.s32 $_size__tile_overlayer_lowered;
	s4 =	simm.s32 $_tile_overlayer_lowered  }
0x98: {  	s20 =	simm.s32 $0x1BFF;
	s19 =	sshll.u32 s4, $0x1;
	s1 =	sadd.s32 s2, s17  }
0x99: {  	s5 =	simm.s32 $0x0;
	s18 =	sshll.u32 s3, $0x1;
	s3 =	sadd.s32 s19, s1  }
0x9a: {  	[timem:s5], [sflag:s20] =	dma.local [hbm:s3], s18  }
0x9b: {  	_ =	swait.ge [sflag:s20], s18  }
0x9c: {  	s2 =	ssub.s32 $0x0, s18;
	[sflag:s20] =	ssyncset.done $0x0  }
0x9d: {  	[sflag:s20] =	ssyncadd.s32 s2;
	_ =	sdelay $0x1  }
0x9e: {  	s21 =	simm.s32 $0x1B8B  }
0x9f: {  	_ =	swait.ge [sflag:s21], $0x1  }
0xa0: {  	[sflag:s21] =	ssyncset.done $0x0  }
0xa1: {  	s23 =	simm.s32 $0x1B8E;
	s22 =	sld [smem:$0x3FFE];
	[sflag:s21] =	ssyncadd.s32 $0xFFFFFFFF  }
0xa2: {  	s24 =	simm.s32 $execute0_lowered;
	[smem:$0x3FD2] =	sst s23  }
0xa3: {  	s3 =	sshll.u32 s24, $0x1;
	_ =	strace $0x80000046;
	[dreg:$0x1] =	wrdreg $0xFFFFFFFF  }
0xa4: {  	s25 =	simm.s32 $_size_execute0_lowered;
	s1 =	sadd.s32 s1, s3;
	[dreg:$0x0] =	wrdreg $0x0  }
0xa5: {  	s3 =	sshll.u32 s25, $0x1;
	[dreg:$0x2] =	wrdreg s1  }
0xa6: {  	[dreg:$0x3] =	wrdreg s3  }
0xa7: {  	[dreg:$0x4] =	wrdreg $0xC0  }
0xa8: {  	_ =	task [dreg:s5], $0x5FFFF  }
0xa9: {  	[dreg:$0x1] =	wrdreg $0xFFFFFFFF  }
0xaa: {  	[dreg:$0x0] =	wrdreg $0x60  }
0xab: {  	[dreg:$0x2] =	wrdreg s22  }
0xac: {  	[dreg:$0x3] =	wrdreg s0  }
0xad: {  	[dreg:$0x4] =	wrdreg $0x9  }
0xae: {  	_ =	task.clear_ibuf [dreg:s5], $0x5FFFF;
	_ =	strace $0x90000046  }
0xaf: {  	s26 =	simm.s32 $0x9;
	_ =	strace $0x80000048  }
0xb0: {  	_ =	swait.ge [sflag:s26], $0x1  }
0xb1: {  	[sflag:s26] =	ssyncadd.s32 $0xFFFFFFFF  }
0xb2: {  	_ =	strace $0x90000048  }
0xb3: {  	_ =	sfence  }
0xb4: {  	s28 =	sld [smem:$0x0];
	_ =	sdelay $0x1  }
0xb5: {  	s29 =	srdreg.scid  }
0xb6: {  	s30 =	sshll.u32 s29, $0xD;
	s31 =	sshrl.u32 s29, $0x2  }
0xb7: {  	s2 =	sand.u32 $0x4000, s30;
	s1 =	sand.u32 $0x1, s29;
	s0 =	sadd.s32 s31, s28  }
0xb8: {  	s1 =	sor.u32 s2, s1;
	s0 =	sshll.u32 s0, $0x11  }
0xb9: {  	s0 =	sor.u32 s0, s1  }
0xba: {  	s0 =	sadd.s32 $0x8F2B, s0  }
0xbb: {  	[sflag:s0] =	ssyncadd.remote.s32 $0x1  }
0xbc: {  	_ =	sfence.sel $0xFFFF  }
0xbd: {  	[dreg:$0x0] =	wrdreg $0xFFFFFFFF;
	(pc) =	sbr.abs _section_cstart, $3  }
0xbe: {  	[dreg:$0x1] =	wrdreg $0xFFFFFFFF  }
0xbf: {  	_ =	task.clear_ibuf [dreg:s5], $0x2FFFF;
	_ =	strace $0x9FFFFFFF  }
0xc0: {  	(tm) =	ssettm $0x7FFFFFFF  }
0xc1: {  	_ =	shalt  }
tec
execute0_lowered:
.L_overlay_start_1:
0x0: {  	(tag) =	ssettag $0x1  }
0x1: {  	s2 =	stileid.u32  }
0x2: {  	p0 =	sne.s32 s2, $0x0  }
.Ltmp0:
0x3: {  	_ = 	snop;
	(pc) =	sbr.rel @p0 .LBB2_4-.Ltmp0, $4  }
0x4: {  	_ = 	snop  }
0x5: {  	s3 =	rddreg [dreg:$0x0]  }
0x6: {  	s1 =	rddreg [dreg:$0x1]  }
0x7: {  	s0 =	rddreg [dreg:$0x2];
	_ =	strace $0x80000047  }
0x8: {  	s4 =	sadd.s32 $0x600, s3;
	s2 =	simm.s32 $0x0;
	v0 =	vimm.s32 $0xC080400  }
0x9: {  	v1 =	vimm.s32 $0x1C181410;
	[tilespmem:s2], [sflag:$0x1] =	stream.linear.gather [hbm4b:s4+s2], $0x80, $0x38;
	v0 =	vunpack.c.0.s8.s32 v0;
	[tilespmem:$0x200] =	vst v63  }
0xa: {  	s23 =	sadd.s32 $0x800, s3;
	s24 =	simm.s32 $0x80;
	vm0 =	vcmask $0xF00;
	s25 =	simm.s32 $0x1;
	v1 =	vunpack.c.0.s8.s32 v1  }
0xb: {  	vm1 =	vcmask $0x1F10;
	[tilespmem:s24], [sflag:$0x2] =	stream.linear.gather [hbm4b:s23+s2], $0x80, $0x38;
	v0 =	vnsel vm0, $0x2C, v0;
	[tilespmem:$0x200] =	vst v63  }
0xc: {  	v2 =	vimm.s32 $0x2C282420;
	v0 =	vsel vm1, v1, v0;
	v1 =	vimm.s32 $0xD090501;
	_ =	swait.ge [sflag:s25], $0x80  }
0xd: {  	v3 =	vimm.s32 $0x1D191511;
	v2 =	vunpack.c.0.s8.s32 v2;
	v1 =	vunpack.c.0.s8.s32 v1;
	[sflag:s25] =	ssyncset.done $0x0  }
0xe: {  	v4 =	vimm.s32 $0x2D292521;
	s26 =	simm.s32 $0x2;
	vm2 =	vcmask $0x2F20;
	v3 =	vunpack.c.0.s8.s32 v3;
	[sflag:s25] =	ssyncadd.s32 $0xFFFFFF80  }
0xf: {  	v4 =	vunpack.c.0.s8.s32 v4;
	v0 =	vsel vm2, v2, v0;
	v1 =	vnsel vm0, $0x2D, v1;
	_ =	swait.ge [sflag:s26], $0x80  }
0x10: {  	v1 =	vsel vm1, v3, v1;
	[sflag:s26] =	ssyncset.done $0x0;
	v3 =	vmov s2  }
0x11: {  	v2 =	vimm.f32 $0.0e+00;
	v1 =	vsel vm2, v4, v1;
	[sflag:s26] =	ssyncadd.s32 $0xFFFFFF80  }
0x12: {  	v4 =	vor.u32 $0x1, v3;
	[tilespmem:$0x100] =	vst v2  }
0x13: {  	[tilespmem:$0x110] =	vst v2  }
0x14: {  	v6 =	vld.idx.msk [tilespmem:v0+s24+$0x0], $0xffff  }
0x15: {  	v0 =	vld.idx.msk [tilespmem:v3+s2+$0x0], $0xffff  }
0x16: {  	v7 =	vld.idx.msk [tilespmem:v1+s24+$0x0], $0xffff  }
0x17: {  	v1 =	vld.idx.msk [tilespmem:v4+s2+$0x0], $0xffff;
	_ =	sdelay $0x4  }
0x18: {  	s28 =	simm.s32 $0x4;
	v0 =	vsub.f32 v6, v0;
	v1 =	vsub.f32 v7, v1  }
0x19: {  	v14 =	vmov s28  }
0x1a: {  	v2 =	vor.u32 $0x1, v14;
	v0 =	vmul.f32 v0, v0;
	v1 =	vmul.f32 v1, v1;
	_ =	sdelay $0x1  }
0x1b: {  	v11 =	vadd.f32 v1, v0;
	_ =	sdelay $0x1  }
0x1c: {  	v0 =	vshra.s32 v11, $0x1;
	v4 =	vmul.f32 $5.000000000e-01, v11  }
0x1d: {  	v2 =	vld.idx.msk [tilespmem:v2+s2+$0x0], $0xffff;
	v0 =	vsub.s32 $0x5F3759DF, v0  }
0x1e: {  	v1 =	vld.idx.msk [tilespmem:v14+s2+$0x0], $0xffff;
	v5 =	vmul.f32 v0, v4;
	_ =	sdelay $0x1  }
0x1f: {  	v5 =	vmul.f32 v0, v5;
	_ =	sdelay $0x1  }
0x20: {  	v5 =	vsub.f32 $1.500000000e+00, v5  }
0x21: {  	s29 =	simm.s32 $0x8;
	v2 =	vsub.f32 v7, v2;
	v8 =	vsub.f32 v6, v1  }
0x22: {  	v1 =	vmov s29;
	v5 =	vmul.f32 v0, v5  }
0x23: {  	v2 =	vmul.f32 v2, v2;
	v0 =	vmul.f32 v8, v8;
	v8 =	vor.u32 $0x1, v1  }
0x24: {  	v9 =	vmul.f32 v5, v4  }
0x25: {  	v0 =	vadd.f32 v2, v0  }
0x26: {  	v2 =	vmul.f32 v9, v5  }
0x27: {  	v12 =	vld.idx.msk [tilespmem:v1+s2+$0x0], $0xffff;
	v9 =	vshra.s32 v0, $0x1;
	v10 =	vmul.f32 $5.000000000e-01, v0  }
0x28: {  	v9 =	vsub.s32 $0x5F3759DF, v9;
	v8 =	vld.idx.msk [tilespmem:v8+s2+$0x0], $0xffff;
	v2 =	vsub.f32 $1.500000000e+00, v2  }
0x29: {  	v13 =	vmul.f32 v9, v10  }
0x2a: {  	v2 =	vmul.f32 v2, v5  }
0x2b: {  	v5 =	vmul.f32 v9, v13  }
0x2c: {  	v12 =	vsub.f32 v6, v12;
	v4 =	vmul.f32 v2, v4  }
0x2d: {  	s30 =	simm.s32 $0xC;
	v13 =	vsub.f32 $1.500000000e+00, v5;
	v8 =	vsub.f32 v7, v8  }
0x2e: {  	v12 =	vmul.f32 v12, v12;
	v5 =	vmov s30;
	v4 =	vmul.f32 v4, v2  }
0x2f: {  	v15 =	vor.u32 $0x1, v5;
	v9 =	vmul.f32 v9, v13;
	v8 =	vmul.f32 v8, v8  }
0x30: {  	v13 =	vsub.f32 $1.500000000e+00, v4  }
0x31: {  	v17 =	vimm.s32 $0xE0A0602;
	v16 =	vmul.f32 v9, v10;
	v4 =	vadd.f32 v8, v12  }
0x32: {  	v8 =	vunpack.c.0.s8.s32 v17;
	v2 =	vmul.f32 v13, v2  }
0x33: {  	v13 =	vmul.f32 v16, v9;
	v16 =	vshra.s32 v4, $0x1;
	v17 =	vmul.f32 $5.000000000e-01, v4  }
0x34: {  	v12 =	vimm.s32 $0x1E1A1612;
	v15 =	vld.idx.msk [tilespmem:v15+s2+$0x0], $0xffff;
	v16 =	vsub.s32 $0x5F3759DF, v16;
	v18 =	vmul.f32 v2, v11  }
0x35: {  	v2 =	vunpack.c.0.s8.s32 v12;
	v12 =	vld.idx.msk [tilespmem:v5+s2+$0x0], $0xffff;
	v13 =	vsub.f32 $1.500000000e+00, v13;
	v20 =	vmul.f32 v16, v17  }
0x36: {  	v19 =	vimm.s32 $0x2E2A2622;
	v8 =	vnsel vm0, $0x2E, v8;
	v21 =	vadd.f32 $1.000000000e-30, v18  }
0x37: {  	v9 =	vmul.f32 v13, v9;
	v2 =	vsel vm1, v2, v8;
	v8 =	vmul.f32 v16, v20  }
0x38: {  	v19 =	vunpack.c.0.s8.s32 v19;
	(erf) = vrcp.f32 v21  }
0x39: {  	v3 =	vor.u32 $0x2, v3;
	v10 =	vmul.f32 v9, v10;
	v8 =	vsub.f32 $1.500000000e+00, v8  }
0x3a: {  	v2 =	vsel vm2, v19, v2;
	v13 =	vsub.f32 v7, v15;
	v12 =	vsub.f32 v6, v12  }
0x3b: {  	v15 =	vmul.f32 v10, v9;
	v16 =	vmul.f32 v16, v8  }
0x3c: {  	s31 =	simm.s32 $0x10;
	v8 =	vmul.f32 v12, v12;
	v12 =	vmul.f32 v13, v13  }
0x3d: {  	v10 =	vmov s31;
	v13 =	vsub.f32 $1.500000000e+00, v15;
	v19 =	vmul.f32 v16, v17  }
0x3e: {  	v20 =	vld.idx.msk [tilespmem:v3+s2+$0x0], $0xffff;
	v15 =	vor.u32 $0x1, v10;
	v8 =	vadd.f32 v12, v8  }
0x3f: {  	v2 =	vld.idx.msk [tilespmem:v2+s24+$0x0], $0xffff;
	v12 =	vmul.f32 v13, v9;
	v19 =	vmul.f32 v19, v16  }
0x40: {  	v21 =	vshra.s32 v8, $0x1;
	v13 =	vmul.f32 $5.000000000e-01, v8  }
0x41: {  	v12 =	vmul.f32 v12, v0;
	v24 =	vsub.s32 $0x5F3759DF, v21;
	v19 =	vsub.f32 $1.500000000e+00, v19;
	v22 =	vpop (erf)  }
0x42: {  	v14 =	vor.u32 $0x2, v14;
	v23 =	vld.idx.msk [tilespmem:v10+s2+$0x0], $0xffff;
	v25 =	vmul.f32 v24, v13;
	v21 =	vmul.f32 v22, v11  }
0x43: {  	v3 =	vimm.s32 $0x0;
	v22 =	vld.idx.msk [tilespmem:v15+s2+$0x0], $0xffff;
	v26 =	vadd.f32 $1.000000000e-30, v12;
	v15 =	vmul.f32 v19, v16  }
0x44: {  	v19 =	vmul.f32 v24, v25;
	v16 =	vadd.f32 v21, v18;
	v18 =	vsub.f32 v2, v20  }
0x45: {  	s9 =	simm.s32 $0x14;
	v9 =	vimm.f32 $3.000000010e+38;
	(erf) = vrcp.f32 v26;
	v17 =	vmul.f32 v15, v17  }
0x46: {  	v11 =	vmov s9;
	v20 =	vmul.f32 $5.000000000e-01, v16;
	v16 =	vand.u32 $0x7FFFFFFF, v18  }
0x47: {  	s6 =	simm.s32 $0x2;
	v18 =	vsub.f32 v6, v23;
	v23 =	vsub.f32 $1.500000000e+00, v19;
	v19 =	vmul.f32 v17, v15  }
0x48: {  	s7 =	simm.s32 $0x3;
	s3 =	simm.s32 $0x4;
	s5 =	simm.s32 $0x5;
	v16 =	vmul.f32 $5.000000000e-01, v16;
	v21 =	vsub.f32 v7, v22;
	v17 =	vmul.f32 $5.000000000e-01, v20  }
0x49: {  	s10 =	simm.s32 $0x6;
	s8 =	simm.s32 $0x0;
	s4 =	simm.s32 $0x1;
	v20 =	vor.u32 $0x1, v11;
	v22 =	vmul.f32 v18, v18;
	v18 =	vmul.f32 v24, v23  }
.LBB2_2:
0x4a: {  	p1 =	sne.s32 s10, $0x13;
	v21 =	vmul.f32 v21, v21;
	v19 =	vsub.f32 $1.500000000e+00, v19;
	v16 =	vadd.f32 v17, v16  }
0x4b: {  	v17 =	vmul.f32 v18, v13;
	v14 =	vld.idx.msk [tilespmem:v14+s2+$0x0], $0xffff  }
0x4c: {  	v21 =	vadd.f32 v21, v22;
	v24 =	vmul.f32 v19, v15;
	vm1 =	vlt.f32 v16, v9  }
0x4d: {  	v17 =	vmul.f32 v17, v18;
	v9 =	vsel vm1, v16, v9;
	v3 =	vsel vm1, s8, v3;
	s8 =	smov.u32 s4;
	s4 =	smov.u32 s6;
	s6 =	smov.u32 s7  }
0x4e: {  	s7 =	smov.u32 s3;
	s3 =	smov.u32 s5;
	s5 =	smov.u32 s10;
	v16 =	vld.idx.msk [tilespmem:v11+s2+$0x0], $0xffff;
	v19 =	vshra.s32 v21, $0x1;
	v22 =	vmul.f32 $5.000000000e-01, v21;
	v23 =	vmul.f32 v24, v4;
	v15 =	vpop (erf)  }
0x4f: {  	s9 =	sadd.s32 $0x4, s9;
	v20 =	vld.idx.msk [tilespmem:v20+s2+$0x0], $0xffff;
	v24 =	vsub.s32 $0x5F3759DF, v19;
	v17 =	vsub.f32 $1.500000000e+00, v17;
	v19 =	vmul.f32 v15, v0;
	v0 =	vmovc v4;
	v4 =	vmovc v8  }
0x50: {  	v25 =	vmov s9;
	v8 =	vmovc v21;
	v26 =	vmul.f32 v24, v22;
	v27 =	vadd.f32 $1.000000000e-30, v23  }
0x51: {  	v15 =	vmul.f32 v17, v18;
	v17 =	vadd.f32 v19, v12;
	v18 =	vsub.f32 v2, v14;
	v12 =	vmovc v23  }
.Ltmp1:
0x52: {  	v14 =	vor.u32 $0x2, v1;
	v1 =	vmovc v5;
	v5 =	vmovc v10;
	v19 =	vmul.f32 v24, v26;
	(erf) = vrcp.f32 v27;
	(pc) =	sbr.rel @p1 .LBB2_2-.Ltmp1, $4  }
0x53: {  	v10 =	vmovc v11;
	v23 =	vmul.f32 v15, v13;
	v17 =	vmul.f32 $5.000000000e-01, v17;
	v18 =	vand.u32 $0x7FFFFFFF, v18;
	v13 =	vmovc v22  }
0x54: {  	v11 =	vmovc v25;
	v22 =	vsub.f32 v6, v16;
	v26 =	vsub.f32 $1.500000000e+00, v19;
	v16 =	vmul.f32 $5.000000000e-01, v18  }
0x55: {  	v21 =	vsub.f32 v7, v20;
	v19 =	vmul.f32 v23, v15;
	v17 =	vmul.f32 $5.000000000e-01, v17  }
0x56: {  	s10 =	sadd.s32 $0x1, s10;
	v20 =	vor.u32 $0x1, v11;
	v22 =	vmul.f32 v22, v22;
	v18 =	vmul.f32 v24, v26  }
0x57: {  	_ =	sdelay $0x3  }
0x58: {  	v23 =	vld.idx.msk [tilespmem:v11+s2+$0x0], $0xffff  }
0x59: {  	v20 =	vld.idx.msk [tilespmem:v20+s2+$0x0], $0xffff;
	_ =	sdelay $0x4  }
0x5a: {  	v21 =	vmul.f32 v21, v21;
	v6 =	vsub.f32 v6, v23;
	v7 =	vsub.f32 v7, v20;
	_ =	sdelay $0x1  }
0x5b: {  	v33 =	vadd.f32 v21, v22;
	v6 =	vmul.f32 v6, v6;
	v7 =	vmul.f32 v7, v7;
	_ =	sdelay $0x1  }
0x5c: {  	v21 =	vshra.s32 v33, $0x1;
	v22 =	vmul.f32 $5.000000000e-01, v33;
	v6 =	vadd.f32 v7, v6  }
0x5d: {  	v34 =	vsub.s32 $0x5F3759DF, v21  }
0x5e: {  	v21 =	vmul.f32 v34, v22;
	v35 =	vshra.s32 v6, $0x1;
	v24 =	vmul.f32 $5.000000000e-01, v6  }
0x5f: {  	v23 =	vsub.s32 $0x5F3759DF, v35  }
0x60: {  	v21 =	vmul.f32 v34, v21;
	v25 =	vmul.f32 v23, v24;
	_ =	sdelay $0x1  }
0x61: {  	v21 =	vsub.f32 $1.500000000e+00, v21;
	v25 =	vmul.f32 v23, v25  }
0x62: {  	v26 =	vmul.f32 v18, v13  }
0x63: {  	v7 =	vmul.f32 v34, v21;
	v36 =	vsub.f32 $1.500000000e+00, v25  }
0x64: {  	v37 =	vmul.f32 v26, v18  }
0x65: {  	v38 =	vmul.f32 v7, v22;
	v21 =	vmul.f32 v23, v36  }
0x66: {  	v39 =	vsub.f32 $1.500000000e+00, v37  }
0x67: {  	v40 =	vmul.f32 v38, v7;
	v41 =	vmul.f32 v21, v24  }
0x68: {  	v42 =	vmul.f32 v39, v18  }
0x69: {  	v43 =	vsub.f32 $1.500000000e+00, v40;
	v44 =	vmul.f32 v41, v21  }
0x6a: {  	v19 =	vsub.f32 $1.500000000e+00, v19;
	v45 =	vmul.f32 v42, v13  }
0x6b: {  	v7 =	vmul.f32 v43, v7;
	v46 =	vsub.f32 $1.500000000e+00, v44  }
0x6c: {  	v15 =	vmul.f32 v19, v15;
	v13 =	vmul.f32 v45, v42  }
0x6d: {  	v47 =	vmul.f32 v7, v22;
	v21 =	vmul.f32 v46, v21  }
0x6e: {  	v15 =	vmul.f32 v15, v4  }
0x6f: {  	v13 =	vsub.f32 $1.500000000e+00, v13;
	v19 =	vmul.f32 v47, v7;
	v48 =	vmul.f32 v21, v24  }
0x70: {  	v49 =	vadd.f32 $1.000000000e-30, v15  }
0x71: {  	v13 =	vmul.f32 v13, v42;
	v50 =	vsub.f32 $1.500000000e+00, v19;
	v51 =	vmul.f32 v48, v21  }
0x72: {  	(erf) = vrcp.f32 v49  }
0x73: {  	v13 =	vmul.f32 v13, v8;
	v7 =	vmul.f32 v50, v7;
	v52 =	vsub.f32 $1.500000000e+00, v51  }
0x74: {  	v1 =	vor.u32 $0x2, v1;
	v5 =	vor.u32 $0x2, v5  }
0x75: {  	v53 =	vadd.f32 $1.000000000e-30, v13;
	v7 =	vmul.f32 v7, v33;
	v18 =	vmul.f32 v52, v21  }
0x76: {  	v14 =	vld.idx.msk [tilespmem:v14+s2+$0x0], $0xffff;
	v10 =	vor.u32 $0x2, v10  }
0x77: {  	v54 =	vpop (erf);
	(erf) = vrcp.f32 v53;
	v55 =	vadd.f32 $1.000000000e-30, v7;
	v18 =	vmul.f32 v18, v6;
	_ =	sdelay $0x1  }
0x78: {  	v0 =	vmul.f32 v54, v0;
	v1 =	vld.idx.msk [tilespmem:v1+s2+$0x0], $0xffff;
	(erf) = vrcp.f32 v55;
	v56 =	vadd.f32 $1.000000000e-30, v18  }
0x79: {  	v5 =	vld.idx.msk [tilespmem:v5+s2+$0x0], $0xffff  }
0x7a: {  	v14 =	vsub.f32 v2, v14;
	v10 =	vld.idx.msk [tilespmem:v10+s2+$0x0], $0xffff;
	v0 =	vadd.f32 v0, v12;
	v57 =	vpop (erf);
	(erf) = vrcp.f32 v56  }
0x7b: {  	v16 =	vadd.f32 v17, v16;
	v60 =	vor.u32 $0x2, v11  }
0x7c: {  	v58 =	vand.u32 $0x7FFFFFFF, v14;
	v0 =	vmul.f32 $5.000000000e-01, v0  }
0x7d: {  	vm1 =	vlt.f32 v16, v9;
	v12 =	vmul.f32 $5.000000000e-01, v58;
	v59 =	vmul.f32 v57, v4  }
0x7e: {  	v1 =	vsub.f32 v2, v1;
	v5 =	vsub.f32 v2, v5;
	v0 =	vmul.f32 $5.000000000e-01, v0  }
0x7f: {  	v9 =	vsel vm1, v16, v9;
	v17 =	vsub.f32 v2, v10;
	v4 =	vadd.f32 v59, v15;
	v61 =	vpop (erf)  }
0x80: {  	v11 =	vld.idx.msk [tilespmem:v60+s2+$0x0], $0xffff;
	v1 =	vand.u32 $0x7FFFFFFF, v1;
	v0 =	vadd.f32 v0, v12;
	v62 =	vmul.f32 v61, v8  }
0x81: {  	v5 =	vand.u32 $0x7FFFFFFF, v5;
	v1 =	vmul.f32 $5.000000000e-01, v1;
	v4 =	vmul.f32 $5.000000000e-01, v4;
	v63 =	vpop (erf)  }
0x82: {  	vm2 =	vlt.f32 v0, v9;
	v8 =	vadd.f32 v62, v13;
	v14 =	vmul.f32 v63, v33  }
0x83: {  	v5 =	vmul.f32 $5.000000000e-01, v5;
	v0 =	vsel vm2, v0, v9;
	v4 =	vmul.f32 $5.000000000e-01, v4;
	v16 =	vpop (erf)  }
0x84: {  	v15 =	vmul.f32 $5.000000000e-01, v8;
	v7 =	vadd.f32 v14, v7;
	v6 =	vmul.f32 v16, v6  }
0x85: {  	v1 =	vadd.f32 v4, v1;
	v19 =	vand.u32 $0x7FFFFFFF, v17;
	v21 =	vsub.f32 v2, v11  }
0x86: {  	v4 =	vmul.f32 $5.000000000e-01, v15;
	v7 =	vmul.f32 $5.000000000e-01, v7;
	v6 =	vadd.f32 v6, v18  }
0x87: {  	v20 =	vmul.f32 $5.000000000e-01, v19;
	vm3 =	vlt.f32 v1, v0;
	v2 =	vand.u32 $0x7FFFFFFF, v21  }
0x88: {  	v4 =	vadd.f32 v4, v5;
	v22 =	vmul.f32 $5.000000000e-01, v7;
	v6 =	vmul.f32 $5.000000000e-01, v6  }
0x89: {  	v3 =	vsel vm1, s8, v3;
	v0 =	vsel vm3, v1, v0;
	v2 =	vmul.f32 $5.000000000e-01, v2  }
0x8a: {  	vm7 =	vlt.f32 v4, v0;
	v1 =	vadd.f32 v22, v20;
	v23 =	vmul.f32 $5.000000000e-01, v6  }
0x8b: {  	v3 =	vsel vm2, s4, v3;
	v0 =	vsel vm7, v4, v0  }
0x8c: {  	v3 =	vsel vm3, s6, v3;
	vm8 =	vlt.f32 v1, v0;
	v2 =	vadd.f32 v23, v2  }
0x8d: {  	v3 =	vsel vm7, s7, v3;
	v0 =	vsel vm8, v1, v0  }
0x8e: {  	v24 =	vsel vm8, s3, v3;
	vm9 =	vlt.f32 v2, v0  }
0x8f: {  	v26 =	vlaneseq.u32;
	v1 =	vsel vm9, s5, v24  }
0x90: {  	v4 =	vmul.u32 $0x4, v26;
	v25 =	vshll.u32 v1, $0x2  }
0x91: {  	v28 =	vimm.s32 $0x4F4B4743;
	v3 =	vor.u32 $0x3, v25  }
0x92: {  	v27 =	vor.u32 $0x3, v4;
	v6 =	vunpack.c.0.s8.s32 v28;
	_ =	sdelay $0x1  }
0x93: {  	v6 =	vnsel vm0, $0x4F, v6  }
0x94: {  	s24 =	simm.s32 $0x0;
	v29 =	vimm.f32 $1.000000000e+00;
	s25 =	simm.s32 $0x100  }
0x95: {  	v3 =	vld.idx.msk [tilespmem:v3+s24+$0x0], $0xffff;
	[tilespmem:v1+s25+$0x0] =	vst.idx.msk $0xfff, v29  }
0x96: {  	v1 =	vld.idx.msk [tilespmem:v27+s24+$0x0], $0xffff;
	_ =	sdelay $0x1  }
0x97: {  	v30 =	vld.idx.msk [tilespmem:v6+s24+$0x0], $0xffff;
	_ =	sdelay $0x2  }
0x98: {  	v1 =	vsub.f32 $1.000000000e+00, v1  }
0x99: {  	v3 =	vadd.f32 $9.999999970e-07, v3  }
0x9a: {  	v5 =	vsub.f32 $1.000000000e+00, v30;
	v1 =	vadd.f32 $9.999999970e-07, v1  }
0x9b: {  	v31 =	vand.u32 $0x7FFFFF, v3  }
0x9c: {  	v6 =	vor.u32 $0x3F800000, v31;
	v5 =	vadd.f32 $9.999999970e-07, v5;
	v33 =	vand.u32 $0x7FFFFF, v1  }
0x9d: {  	v32 =	vmul.f32 $5.000000000e-01, v6;
	v34 =	vor.u32 $0x3F800000, v33  }
0x9e: {  	vm10 =	vgt.f32 v6, $1.414213540e+00;
	v37 =	vand.u32 $0x7FFFFF, v5;
	v36 =	vmul.f32 $5.000000000e-01, v34  }
0x9f: {  	v6 =	vsel vm10, v32, v6;
	v38 =	vor.u32 $0x3F800000, v37;
	vm4 =	vgt.f32 v34, $1.414213540e+00  }
0xa0: {  	v35 =	vadd.f32 $1.000000000e+00, v6;
	v10 =	vmul.f32 $5.000000000e-01, v38;
	v7 =	vsel vm4, v36, v34  }
0xa1: {  	vm11 =	vgt.f32 v38, $1.414213540e+00;
	v9 =	vadd.f32 $1.000000000e+00, v7  }
0xa2: {  	(erf) = vrcp.f32 v35;
	v8 =	vsel vm11, v10, v38  }
0xa3: {  	v39 =	vadd.f32 $1.000000000e+00, v8;
	(erf) = vrcp.f32 v9;
	_ =	sdelay $0x1  }
0xa4: {  	(erf) = vrcp.f32 v39;
	_ =	sdelay $0x5  }
0xa5: {  	v7 =	vadd.f32 $-1.000000000e+00, v7;
	v40 =	vpop (erf)  }
0xa6: {  	v6 =	vadd.f32 $-1.000000000e+00, v6;
	v41 =	vpop (erf)  }
0xa7: {  	v8 =	vadd.f32 $-1.000000000e+00, v8;
	v7 =	vmul.f32 v41, v7  }
0xa8: {  	v6 =	vmul.f32 v40, v6;
	v45 =	vpop (erf)  }
0xa9: {  	v8 =	vmul.f32 v45, v8;
	v44 =	vmul.f32 v7, v7  }
0xaa: {  	v51 =	vimm.s32 $0x4E4A4642;
	v42 =	vmul.f32 v6, v6  }
0xab: {  	v17 =	vunpack.c.0.s8.s32 v51;
	v47 =	vmul.f32 v8, v8;
	v46 =	vmul.f32 $1.111111120e-01, v44  }
0xac: {  	v48 =	vimm.s32 $0xFFFFFF81;
	v43 =	vmul.f32 $1.111111120e-01, v42  }
0xad: {  	v17 =	vnsel vm0, $0x4E, v17;
	v49 =	vmul.f32 $1.111111120e-01, v47;
	v12 =	vadd.f32 $1.428571490e-01, v46  }
0xae: {  	v4 =	vor.u32 $0x2, v4;
	v3 =	vshrl.u32 v3, $0x17;
	v9 =	vadd.f32 $1.428571490e-01, v43  }
0xaf: {  	v3 =	vand.u32 $0xFF, v3;
	v15 =	vadd.f32 $1.428571490e-01, v49;
	v12 =	vmul.f32 v12, v44  }
0xb0: {  	v50 =	vsel vm10, $0xFFFFFF82, v48;
	v1 =	vshrl.u32 v1, $0x17;
	v9 =	vmul.f32 v9, v42  }
0xb1: {  	v5 =	vshrl.u32 v5, $0x17;
	v15 =	vmul.f32 v15, v47;
	v12 =	vadd.f32 $2.000000030e-01, v12  }
0xb2: {  	v3 =	vadd.s32 v3, v50;
	v1 =	vand.u32 $0xFF, v1;
	v9 =	vadd.f32 $2.000000030e-01, v9  }
0xb3: {  	v5 =	vand.u32 $0xFF, v5;
	v53 =	vadd.f32 $2.000000030e-01, v15;
	v12 =	vmul.f32 v12, v44  }
0xb4: {  	v3 =	vcvt.s32.f32 v3;
	v52 =	vsel vm4, $0xFFFFFF82, v48;
	v9 =	vmul.f32 v9, v42  }
0xb5: {  	v54 =	vsel vm11, $0xFFFFFF82, v48;
	v10 =	vmul.f32 v53, v47;
	v12 =	vadd.f32 $3.333333430e-01, v12  }
0xb6: {  	v1 =	vadd.s32 v1, v52;
	v5 =	vadd.s32 v5, v54;
	v9 =	vadd.f32 $3.333333430e-01, v9  }
0xb7: {  	v1 =	vcvt.s32.f32 v1;
	v10 =	vadd.f32 $3.333333430e-01, v10;
	v11 =	vmul.f32 v12, v44  }
0xb8: {  	v5 =	vcvt.s32.f32 v5;
	v9 =	vmul.f32 v9, v42  }
0xb9: {  	v7 =	vadd.f32 v7, v7;
	v10 =	vmul.f32 v10, v47;
	v11 =	vadd.f32 $1.000000000e+00, v11  }
0xba: {  	v4 =	vld.idx.msk [tilespmem:v4+s24+$0x0], $0xffff;
	v1 =	vmul.f32 $6.931471820e-01, v1;
	v6 =	vadd.f32 v6, v6;
	v9 =	vadd.f32 $1.000000000e+00, v9  }
0xbb: {  	v8 =	vadd.f32 v8, v8;
	v10 =	vadd.f32 $1.000000000e+00, v10;
	v7 =	vmul.f32 v11, v7  }
0xbc: {  	v55 =	vld.idx.msk [tilespmem:v17+s24+$0x0], $0xffff;
	v3 =	vmul.f32 $6.931471820e-01, v3;
	v6 =	vmul.f32 v9, v6  }
0xbd: {  	v5 =	vmul.f32 $6.931471820e-01, v5;
	v8 =	vmul.f32 v10, v8;
	v1 =	vadd.f32 v7, v1  }
0xbe: {  	v3 =	vadd.f32 v6, v3  }
0xbf: {  	v56 =	vld [tilespmem:$0x100];
	v4 =	vmul.f32 $5.000000000e-01, v4;
	v5 =	vadd.f32 v8, v5;
	v1 =	vsub.f32 $0.0e+00, v1  }
0xc0: {  	v0 =	vsel vm9, v2, v0;
	v57 =	vld [tilespmem:$0x110];
	v3 =	vsub.f32 $0.0e+00, v3  }
0xc1: {  	v59 =	vmul.f32 $5.000000000e-01, v55;
	v58 =	vsub.f32 $0.0e+00, v5;
	v1 =	vadd.f32 v1, v4  }
0xc2: {  	v0 =	vadd.f32 v3, v0  }
0xc3: {  	vm12 =	vmmov $0xfff;
	v2 =	vadd.f32 v58, v59;
	v1 =	vmul.f32 $5.000000000e-01, v1  }
0xc4: {  	vm15 =	vmmov $0xf;
	vm13 =	veq.f32 v56, $0.0e+00;
	v0 =	vnsel vm12, $0x0, v0  }
0xc5: {  	vm14 =	veq.f32 v57, $0.0e+00;
	(xrf2) =	vadd.scan.msk.f32 $0xffff, v0;
	v60 =	vmul.f32 $5.000000000e-01, v2;
	v1 =	vnsel vm13, $0x0, v1  }
0xc6: {  	vm0 =	vmand vm14, vm15;
	(xrf2) =	vadd.scan.msk.f32 $0xffff, v1  }
0xc7: {  	v0 =	vnsel vm0, $0x0, v60  }
0xc8: {  	(xrf2) =	vadd.scan.msk.f32 $0xffff, v0;
	_ =	sdelay $0x6  }
0xc9: {  	v61, _, _ =	vpop (xrf2)  }
0xca: {  	(v2sf) =	vpush v61, $0xF;
	v1, _, _ =	vpop (xrf2)  }
0xcb: {  	(v2sf) =	vpush v1, $0xF  }
0xcc: {  	v62, _, _ =	vpop (xrf2)  }
0xcd: {  	(v2sf) =	vpush v62, $0xF;
	_ =	sdelay $0xb  }
0xce: {  	s26 =	spop (v2sf)  }
0xcf: {  	s28 =	spop (v2sf)  }
0xd0: {  	s4 =	sadd.f32 $0.0e+00, s28  }
0xd1: {  	s29 =	spop (v2sf)  }
0xd2: {  	s4 =	sadd.f32 s29, s4  }
0xd3: {  	s3 =	smul.f32 $8.333333580e-02, s26  }
0xd4: {  	s4 =	smul.f32 $1.250000000e-01, s4;
	_ =	sdelay $0x1  }
0xd5: {  	s3 =	sadd.f32 s4, s3;
	_ =	sdelay $0x1  }
0xd6: {  	v63 =	vmov s3  }
0xd7: {  	s30 =	simm.s32 $0x180;
	s31 =	simm.s32 $0x3;
	[tilespmem:$0x180] =	vst v63  }
0xd8: {  	[hbm4b:s1+s24] =	stream.linear.scatter [tilespmem:s30], [sflag:$0x3], $0x80, $0x38;
	[tilespmem:$0x200] =	vst v63  }
0xd9: {  	_ =	swait.ge [sflag:s31], $0x80  }
0xda: {  	[sflag:s31] =	ssyncset.done $0x0  }
0xdb: {  	[sflag:s31] =	ssyncadd.s32 $0xFFFFFF80  }
.LBB2_4:
0xdc: {  	_ =	sfence.sel $0x180000  }
0xdd: {  	[bflag:$0x0] =	sbarrier.arrive $0xFFFF  }
0xde: {  	_ =	strace $0x90000047  }
0xdf: {  	s0 =	sadd.s32 @!p0 $0x100000, s0;
	[bflag:$0x2] =	sbarrier.arrive $0xFFFF  }
0xe0: {  	[sflag:s0] =	ssyncadd.tile.s32 @!p0 $0x1;
	_ =	shalt  }
.Lfunc_end2:
_tile_overlayer_lowered:
.L_overlay_start_2:
0xe1: {  	(tag) =	ssettag $0x2  }
0xe2: {  	s0 =	rddreg [dreg:$0x0];
	s2 =	stileid.u32  }
0xe3: {  	s1 =	rddreg [dreg:$0x1];
	p0 =	sne.s32 s2, $0x0  }
0xe4: {  	s3 =	rddreg [dreg:$0x2];
	[bflag:$0x3] =	sbarrier.arrive $0xFFFF;
	s2 =	simm.s32 @!p0 $0x1C03  }
0xe5: {  	[timem:s3], [sflag:s2] =	dma.local @!p0 [hbm:s0], s1  }
0xe6: {  	s0 =	simm.s32 @!p0 $0x3  }
0xe7: {  	_ =	swait.ge @!p0 [sflag:s0], s1  }
0xe8: {  	s1 =	ssub.s32 @!p0 $0x0, s1;
	[sflag:s0] =	ssyncset.done @!p0 $0x0  }
0xe9: {  	[sflag:s0] =	ssyncadd.s32 @!p0 s1  }
0xea: {  	[bflag:$0x3] =	sbarrier.arrive $0xFFFF  }
0xeb: {  	_ =	shalt  }

</sc_bundles>
